<compile_context>
chip_gen: v7x
topology: tpu7x:2x2x1
jax: 0.10.2.dev20260603
libtpu: 0.0.44.dev20260713+nightly
codegen_flags: <defaults>
</compile_context>

<pallas_src>
import functools

import jax
import jax.numpy as jnp
from jax import lax
from jax.experimental import pallas as pl
from jax.experimental.pallas import tpu as pltpu
from jax.experimental.pallas import tpu_sc as plsc

N = 10000
E = 320000
D_IN = 128
D_H = 64
G = 128
W_PAD = 128

NPAD = 10112
NTILES = 16
NCORES = 2
NW = NCORES * NTILES
CHUNK = 128
CPW = 79
EPAD = NW * CPW * CHUNK
ROWS_PER_TILE = NPAD // NTILES


def _edge_pass(gather):
  mesh = plsc.VectorSubcoreMesh(core_axis_name="c", subcore_axis_name="s")

  @functools.partial(
      pl.kernel,
      mesh=mesh,
      out_type=jax.ShapeDtypeStruct((NCORES, NPAD, W_PAD), jnp.float32),
      scratch_types=[
          pltpu.VMEM((CHUNK,), jnp.int32),
          pltpu.VMEM((CHUNK,), jnp.int32),
          pltpu.VMEM((CHUNK, W_PAD), jnp.float32),
          pltpu.VMEM_SHARED((NPAD, W_PAD), jnp.float32),
          pltpu.SemaphoreType.DMA,
      ],
  )
  def k(table, src3, dst3, zeros, out, src_v, dst_v, rows_v, acc, sem):
    c = lax.axis_index("c")
    s = lax.axis_index("s")
    w = c * NTILES + s
    r0 = s * ROWS_PER_TILE
    pltpu.sync_copy(zeros.at[pl.ds(r0, ROWS_PER_TILE)],
                    acc.at[pl.ds(r0, ROWS_PER_TILE)])
    if not gather:
      pltpu.sync_copy(table, rows_v)
    plsc.subcore_barrier()

    def body(i, carry):
      pltpu.sync_copy(dst3.at[w, i], dst_v)
      if gather:
        pltpu.sync_copy(src3.at[w, i], src_v)
        pltpu.async_copy(table.at[src_v], rows_v, sem).wait()
      pltpu.sync_copy(rows_v, acc.at[dst_v], add=True)
      return carry

    lax.fori_loop(0, CPW, body, 0)
    plsc.subcore_barrier()
    pltpu.sync_copy(acc.at[pl.ds(r0, ROWS_PER_TILE)],
                    out.at[c, pl.ds(r0, ROWS_PER_TILE)])

  return k


_B = 2000


def _dinv_block(d0_ref, d1_ref):
  return lax.rsqrt(d0_ref[0][:, 0:1] + d1_ref[0][:, 0:1] + 1.0)


def _tc1(x, W1p, degp):
  def body(x_ref, w_ref, d0_ref, d1_ref, g_ref):
    dinv = _dinv_block(d0_ref, d1_ref)
    h = jnp.dot(x_ref[...], w_ref[...], preferred_element_type=jnp.float32)
    g_ref[...] = h * dinv

  return pl.pallas_call(
      body,
      grid=(N // _B,),
      in_specs=[
          pl.BlockSpec((_B, D_IN), lambda i: (i, 0)),
          pl.BlockSpec((D_IN, W_PAD), lambda i: (0, 0)),
          pl.BlockSpec((1, _B, W_PAD), lambda i: (0, i, 0)),
          pl.BlockSpec((1, _B, W_PAD), lambda i: (1, i, 0)),
      ],
      out_specs=pl.BlockSpec((_B, W_PAD), lambda i: (i, 0)),
      out_shape=jax.ShapeDtypeStruct((N, W_PAD), jnp.float32),
  )(x, W1p, degp, degp)


def _tc2(p, g1, degp, b1p, W2p):
  def body(p0_ref, p1_ref, g1_ref, d0_ref, d1_ref, b_ref, w_ref, o_ref):
    dinv = _dinv_block(d0_ref, d1_ref)
    acc = p0_ref[0] + p1_ref[0] + g1_ref[...]
    h1 = jnp.maximum(dinv * acc + b_ref[...], 0.0)
    h2 = jnp.dot(h1, w_ref[...], preferred_element_type=jnp.float32)
    o_ref[...] = h2 * dinv

  return pl.pallas_call(
      body,
      grid=(N // _B,),
      in_specs=[
          pl.BlockSpec((1, _B, W_PAD), lambda i: (0, i, 0)),
          pl.BlockSpec((1, _B, W_PAD), lambda i: (1, i, 0)),
          pl.BlockSpec((_B, W_PAD), lambda i: (i, 0)),
          pl.BlockSpec((1, _B, W_PAD), lambda i: (0, i, 0)),
          pl.BlockSpec((1, _B, W_PAD), lambda i: (1, i, 0)),
          pl.BlockSpec((1, W_PAD), lambda i: (0, 0)),
          pl.BlockSpec((W_PAD, W_PAD), lambda i: (0, 0)),
      ],
      out_specs=pl.BlockSpec((_B, W_PAD), lambda i: (i, 0)),
      out_shape=jax.ShapeDtypeStruct((N, W_PAD), jnp.float32),
  )(p, p, g1, degp, degp, b1p, W2p)


def _tc3(q, g2, degp, b2p, batch2):
  nsteps = N // _B

  def body(q0_ref, q1_ref, g2_ref, d0_ref, d1_ref, b_ref, bat_ref, o_ref, cnt):
    i = pl.program_id(0)
    dinv = _dinv_block(d0_ref, d1_ref)
    h = jnp.maximum(
        dinv * (q0_ref[0] + q1_ref[0] + g2_ref[...]) + b_ref[...], 0.0)
    onehot = (bat_ref[...] ==
              lax.broadcasted_iota(jnp.int32, (_B, G), 1)).astype(jnp.float32)
    dims = (((0,), (0,)), ((), ()))
    psum = lax.dot_general(onehot, h, dims,
                           preferred_element_type=jnp.float32)
    pcnt = lax.dot_general(onehot, jnp.ones((_B, 1), jnp.float32), dims,
                           preferred_element_type=jnp.float32)

    @pl.when(i == 0)
    def _():
      o_ref[...] = psum
      cnt[...] = pcnt

    @pl.when(i > 0)
    def _():
      o_ref[...] = o_ref[...] + psum
      cnt[...] = cnt[...] + pcnt

    @pl.when(i == nsteps - 1)
    def _():
      o_ref[...] = o_ref[...] / jnp.maximum(cnt[...], 1.0)

  return pl.pallas_call(
      body,
      grid=(nsteps,),
      in_specs=[
          pl.BlockSpec((1, _B, W_PAD), lambda i: (0, i, 0)),
          pl.BlockSpec((1, _B, W_PAD), lambda i: (1, i, 0)),
          pl.BlockSpec((_B, W_PAD), lambda i: (i, 0)),
          pl.BlockSpec((1, _B, W_PAD), lambda i: (0, i, 0)),
          pl.BlockSpec((1, _B, W_PAD), lambda i: (1, i, 0)),
          pl.BlockSpec((1, W_PAD), lambda i: (0, 0)),
          pl.BlockSpec((_B, 1), lambda i: (i, 0)),
      ],
      out_specs=pl.BlockSpec((G, W_PAD), lambda i: (0, 0)),
      out_shape=jax.ShapeDtypeStruct((G, W_PAD), jnp.float32),
      scratch_shapes=[pltpu.VMEM((G, 1), jnp.float32)],
  )(q, q, g2, degp, degp, b2p, batch2)


def kernel(x, edge_index, batch, W1, b1, W2, b2):
  src = edge_index[0].astype(jnp.int32)
  dst = edge_index[1].astype(jnp.int32)
  padlen = EPAD - E
  src3 = jnp.concatenate(
      [src, jnp.zeros((padlen,), jnp.int32)]).reshape(NW, CPW, CHUNK)
  dst3 = jnp.concatenate(
      [dst, jnp.full((padlen,), N, jnp.int32)]).reshape(NW, CPW, CHUNK)
  zeros = jnp.zeros((NPAD, W_PAD), jnp.float32)
  ones = jnp.ones((CHUNK, W_PAD), jnp.float32)
  W1p = jnp.pad(W1, ((0, 0), (0, W_PAD - D_H)))
  W2p = jnp.pad(W2, ((0, W_PAD - D_H), (0, W_PAD - D_H)))
  b1p = jnp.pad(b1, (0, W_PAD - D_H)).reshape(1, W_PAD)
  b2p = jnp.pad(b2, (0, W_PAD - D_H)).reshape(1, W_PAD)

  deg_pass = _edge_pass(gather=False)
  msg_pass = _edge_pass(gather=True)

  degp = deg_pass(ones, src3, dst3, zeros)
  g1 = _tc1(x, W1p, degp)
  p = msg_pass(g1, src3, dst3, zeros)
  g2 = _tc2(p, g1, degp, b1p, W2p)
  q = msg_pass(g2, src3, dst3, zeros)
  pooled = _tc3(q, g2, degp, b2p,
                batch.astype(jnp.int32).reshape(N, 1))
  return pooled[:, :D_H]

# --- scband reference (transcript-rebuilt; emitter-appended) ---
"""Pipeline reference for scband-graph-encoder-gcn-6536940224753 (READ-ONLY COPY).

The authoritative reference and input builder live on the scoring server;
editing this copy changes nothing except your own understanding.
"""

import jax, jax.numpy as jnp
import numpy as np

NUM_GRAPHS = 128

def setup_inputs(seed: int = 0) -> dict:
    key = jax.random.key(seed)
    k_x, k_e, k_b, k_w1, k_b1, k_w2, k_b2 = jax.random.split(key, 7)
    N = 10000
    E = 320000
    D_IN = 128
    D_H = 64
    x = jax.random.normal(k_x, (N, D_IN), dtype=jnp.float32)
    edge_index = jax.random.randint(k_e, (2, E), 0, N, dtype=jnp.int64)
    batch = jnp.sort(jax.random.randint(k_b, (N,), 0, NUM_GRAPHS, dtype=jnp.int64))
    # GCNConv parameters (glorot-ish scale)
    W1 = jax.random.normal(k_w1, (D_IN, D_H), dtype=jnp.float32) * (1.0 / np.sqrt(D_IN))
    b1 = jnp.zeros((D_H,), dtype=jnp.float32)
    W2 = jax.random.normal(k_w2, (D_H, D_H), dtype=jnp.float32) * (1.0 / np.sqrt(D_H))
    b2 = jnp.zeros((D_H,), dtype=jnp.float32)
    return {"x": x, "edge_index": edge_index, "batch": batch,
            "W1": W1, "b1": b1, "W2": W2, "b2": b2}


def _gcn_conv(x, edge_index, W, b):
    # Faithful PyG GCNConv: add self-loops, symmetric normalization,
    # linear transform, gather-scatter message passing, bias.
    N = x.shape[0]
    h = x @ W
    src = edge_index[0]
    dst = edge_index[1]
    loop = jnp.arange(N, dtype=edge_index.dtype)
    src2 = jnp.concatenate([src, loop])
    dst2 = jnp.concatenate([dst, loop])
    deg = jnp.zeros((N,), dtype=h.dtype).at[dst2].add(1.0)
    dinv = jnp.where(deg > 0, jax.lax.rsqrt(deg), 0.0)
    norm = dinv[src2] * dinv[dst2]
    msg = h[src2] * norm[:, None]
    out = jnp.zeros((N, h.shape[1]), dtype=h.dtype).at[dst2].add(msg)
    return out + b


def reference(x, edge_index, batch, W1, b1, W2, b2):
    h = jax.nn.relu(_gcn_conv(x, edge_index, W1, b1))
    # dropout p=0.2 is identity in eval mode (training=False)
    h = jax.nn.relu(_gcn_conv(h, edge_index, W2, b2))
    # global_mean_pool over graph ids
    sums = jax.ops.segment_sum(h, batch, num_segments=NUM_GRAPHS)
    counts = jax.ops.segment_sum(jnp.ones((h.shape[0],), dtype=h.dtype), batch, num_segments=NUM_GRAPHS)
    return sums / jnp.clip(counts, 1.0)[:, None]

if __name__ == "__main__":
    import jax
    _d = setup_inputs()
    print(jax.jit(kernel)(*tuple(_d.values())))

</pallas_src>

<mosaic_0001>
#map = affine_map<(d0, d1) -> (0, 0)>
#map1 = affine_map<(d0, d1) -> (0, 0, 0)>
module attributes {stable_mosaic.version = 14 : i64} {
  func.func @k(%arg0: i32, %arg1: i32, %arg2: memref<10000x128xf32, #tpu.memory_space<hbm>>, %arg3: memref<32x79x128xi32, #tpu.memory_space<hbm>>, %arg4: memref<32x79x128xi32, #tpu.memory_space<hbm>>, %arg5: memref<10112x128xf32, #tpu.memory_space<hbm>>, %arg6: memref<2x10112x128xf32, #tpu.memory_space<hbm>>, %arg7: memref<128xi32, #tpu.memory_space<vmem>>, %arg8: memref<128xi32, #tpu.memory_space<vmem>>, %arg9: memref<128x128xf32, #tpu.memory_space<vmem>>, %arg10: memref<10112x128xf32, #tpu.memory_space<vmem_shared>>, %arg11: memref<!tpu.dma_semaphore, #tpu.memory_space<semaphore_mem>>) attributes {dimension_semantics = [#tpu.dimension_semantics<core_parallel>, #tpu.dimension_semantics<subcore_parallel>], iteration_bounds = array<i64: 2, 16>, scalar_prefetch = 0 : i64, scratch_operands = 5 : i64, tpu.core_type = #tpu.core_type<sc_vector_subcore>, window_params = [{transform_indices = #map}, {transform_indices = #map1}, {transform_indices = #map1}, {transform_indices = #map}, {transform_indices = #map1}]} {
    %mul3A = arith.constant 16 : i32
    %mul3A_0 = arith.muli %arg0, %mul3A : i32
    %add3A = arith.addi %mul3A_0, %arg1 : i32
    %mul3A_1 = arith.constant 632 : i32
    %mul3A_2 = arith.muli %arg1, %mul3A_1 : i32
    "tpu.region"() ({
      %run_scoped3A = tpu.sem_alloc : memref<!tpu.dma_semaphore, #tpu.memory_space<semaphore_mem>>
      %dma_start3A = arith.constant 0 : i32
      %dma_start3A_9 = tpu.memref_slice %arg10[%mul3A_2, %dma_start3A] : memref<10112x128xf32, #tpu.memory_space<vmem_shared>> -> memref<632x128xf32, #tpu.memory_space<vmem_shared>>
      %dma_start3A_10 = arith.constant 0 : i32
      %dma_start3A_11 = tpu.memref_slice %arg5[%mul3A_2, %dma_start3A_10] : memref<10112x128xf32, #tpu.memory_space<hbm>> -> memref<632x128xf32, #tpu.memory_space<hbm>>
      tpu.enqueue_dma source(%dma_start3A_11 : memref<632x128xf32, #tpu.memory_space<hbm>>) target(%dma_start3A_9 : memref<632x128xf32, #tpu.memory_space<vmem_shared>>) target_semaphore(%run_scoped3A : memref<!tpu.dma_semaphore, #tpu.memory_space<semaphore_mem>>)
      %dma_wait3A = arith.constant 0 : i32
      %dma_wait3A_12 = tpu.memref_slice %arg10[%mul3A_2, %dma_wait3A] : memref<10112x128xf32, #tpu.memory_space<vmem_shared>> -> memref<632x128xf32, #tpu.memory_space<vmem_shared>>
      %dma_wait3A_13 = arith.constant 0 : i32
      %dma_wait3A_14 = tpu.memref_slice %arg5[%mul3A_2, %dma_wait3A_13] : memref<10112x128xf32, #tpu.memory_space<hbm>> -> memref<632x128xf32, #tpu.memory_space<hbm>>
      tpu.wait_dma2 semaphore(%run_scoped3A : memref<!tpu.dma_semaphore, #tpu.memory_space<semaphore_mem>>) src(%dma_wait3A_14 : memref<632x128xf32, #tpu.memory_space<hbm>>) dst(%dma_wait3A_12 : memref<632x128xf32, #tpu.memory_space<vmem_shared>>)
      tpu.yield
    }) : () -> ()
    %barrier3A = arith.constant 0 : index
    tpu.barrier barrier_id(%barrier3A)
    %scan3A = arith.constant 0 : i32
    %scan3A_3 = arith.constant 0 : i32
    %scan3A_4 = arith.constant 79 : i32
    %scan3A_5 = arith.addi %scan3A_3, %scan3A_4 : i32
    %scan3A_6 = arith.constant 1 : i32
    scf.for %scan3A_9 = %scan3A_3 to %scan3A_5 step %scan3A_6  : i32 {
      "tpu.region"() ({
        %run_scoped3A = tpu.sem_alloc : memref<!tpu.dma_semaphore, #tpu.memory_space<semaphore_mem>>
        %dma_start3A_14 = arith.constant 0 : i32
        %dma_start3A_15 = tpu.memref_slice %arg4[%add3A, %scan3A_9, %dma_start3A_14] : memref<32x79x128xi32, #tpu.memory_space<hbm>> -> memref<1x1x128xi32, #tpu.memory_space<hbm>>
        %dma_start3A_16 = tpu.memref_squeeze %dma_start3A_15 : memref<1x1x128xi32, #tpu.memory_space<hbm>> -> memref<128xi32, #tpu.memory_space<hbm>>
        %dma_start3A_17 = arith.constant 0 : i32
        %dma_start3A_18 = tpu.memref_slice %arg4[%add3A, %scan3A_9, %dma_start3A_17] : memref<32x79x128xi32, #tpu.memory_space<hbm>> -> memref<1x1x128xi32, #tpu.memory_space<hbm>>
        %dma_start3A_19 = tpu.memref_squeeze %dma_start3A_18 : memref<1x1x128xi32, #tpu.memory_space<hbm>> -> memref<128xi32, #tpu.memory_space<hbm>>
        tpu.enqueue_dma source(%dma_start3A_19 : memref<128xi32, #tpu.memory_space<hbm>>) target(%arg8 : memref<128xi32, #tpu.memory_space<vmem>>) target_semaphore(%run_scoped3A : memref<!tpu.dma_semaphore, #tpu.memory_space<semaphore_mem>>)
        %dma_wait3A_20 = arith.constant 0 : i32
        %dma_wait3A_21 = tpu.memref_slice %arg4[%add3A, %scan3A_9, %dma_wait3A_20] : memref<32x79x128xi32, #tpu.memory_space<hbm>> -> memref<1x1x128xi32, #tpu.memory_space<hbm>>
        %dma_wait3A_22 = tpu.memref_squeeze %dma_wait3A_21 : memref<1x1x128xi32, #tpu.memory_space<hbm>> -> memref<128xi32, #tpu.memory_space<hbm>>
        %dma_wait3A_23 = arith.constant 0 : i32
        %dma_wait3A_24 = tpu.memref_slice %arg4[%add3A, %scan3A_9, %dma_wait3A_23] : memref<32x79x128xi32, #tpu.memory_space<hbm>> -> memref<1x1x128xi32, #tpu.memory_space<hbm>>
        %dma_wait3A_25 = tpu.memref_squeeze %dma_wait3A_24 : memref<1x1x128xi32, #tpu.memory_space<hbm>> -> memref<128xi32, #tpu.memory_space<hbm>>
        tpu.wait_dma2 semaphore(%run_scoped3A : memref<!tpu.dma_semaphore, #tpu.memory_space<semaphore_mem>>) src(%dma_wait3A_25 : memref<128xi32, #tpu.memory_space<hbm>>) dst(%arg8 : memref<128xi32, #tpu.memory_space<vmem>>)
        tpu.yield
      }) : () -> ()
      "tpu.region"() ({
        %run_scoped3A = tpu.sem_alloc : memref<!tpu.dma_semaphore, #tpu.memory_space<semaphore_mem>>
        %dma_start3A_14 = arith.constant 0 : i32
        %dma_start3A_15 = tpu.memref_slice %arg3[%add3A, %scan3A_9, %dma_start3A_14] : memref<32x79x128xi32, #tpu.memory_space<hbm>> -> memref<1x1x128xi32, #tpu.memory_space<hbm>>
        %dma_start3A_16 = tpu.memref_squeeze %dma_start3A_15 : memref<1x1x128xi32, #tpu.memory_space<hbm>> -> memref<128xi32, #tpu.memory_space<hbm>>
        %dma_start3A_17 = arith.constant 0 : i32
        %dma_start3A_18 = tpu.memref_slice %arg3[%add3A, %scan3A_9, %dma_start3A_17] : memref<32x79x128xi32, #tpu.memory_space<hbm>> -> memref<1x1x128xi32, #tpu.memory_space<hbm>>
        %dma_start3A_19 = tpu.memref_squeeze %dma_start3A_18 : memref<1x1x128xi32, #tpu.memory_space<hbm>> -> memref<128xi32, #tpu.memory_space<hbm>>
        tpu.enqueue_dma source(%dma_start3A_19 : memref<128xi32, #tpu.memory_space<hbm>>) target(%arg7 : memref<128xi32, #tpu.memory_space<vmem>>) target_semaphore(%run_scoped3A : memref<!tpu.dma_semaphore, #tpu.memory_space<semaphore_mem>>)
        %dma_wait3A_20 = arith.constant 0 : i32
        %dma_wait3A_21 = tpu.memref_slice %arg3[%add3A, %scan3A_9, %dma_wait3A_20] : memref<32x79x128xi32, #tpu.memory_space<hbm>> -> memref<1x1x128xi32, #tpu.memory_space<hbm>>
        %dma_wait3A_22 = tpu.memref_squeeze %dma_wait3A_21 : memref<1x1x128xi32, #tpu.memory_space<hbm>> -> memref<128xi32, #tpu.memory_space<hbm>>
        %dma_wait3A_23 = arith.constant 0 : i32
        %dma_wait3A_24 = tpu.memref_slice %arg3[%add3A, %scan3A_9, %dma_wait3A_23] : memref<32x79x128xi32, #tpu.memory_space<hbm>> -> memref<1x1x128xi32, #tpu.memory_space<hbm>>
        %dma_wait3A_25 = tpu.memref_squeeze %dma_wait3A_24 : memref<1x1x128xi32, #tpu.memory_space<hbm>> -> memref<128xi32, #tpu.memory_space<hbm>>
        tpu.wait_dma2 semaphore(%run_scoped3A : memref<!tpu.dma_semaphore, #tpu.memory_space<semaphore_mem>>) src(%dma_wait3A_25 : memref<128xi32, #tpu.memory_space<hbm>>) dst(%arg7 : memref<128xi32, #tpu.memory_space<vmem>>)
        tpu.yield
      }) : () -> ()
      %dma_start3A = arith.constant 0 : i32
      %dma_start3A_10 = arith.constant 0 : i32
      %dma_start3A_11 = tpu.memref_slice %arg2[%dma_start3A, %dma_start3A_10] : memref<10000x128xf32, #tpu.memory_space<hbm>> -> memref<10000x128xf32, #tpu.memory_space<hbm>>
      tpu.enqueue_indirect_dma source(%dma_start3A_11 : memref<10000x128xf32, #tpu.memory_space<hbm>>) target(%arg9 : memref<128x128xf32, #tpu.memory_space<vmem>>) offsets(%arg7 : memref<128xi32, #tpu.memory_space<vmem>>) semaphore(%arg11 : memref<!tpu.dma_semaphore, #tpu.memory_space<semaphore_mem>>)
      %dma_wait3A = arith.constant 0 : i32
      %dma_wait3A_12 = arith.constant 0 : i32
      %dma_wait3A_13 = tpu.memref_slice %arg2[%dma_wait3A, %dma_wait3A_12] : memref<10000x128xf32, #tpu.memory_space<hbm>> -> memref<10000x128xf32, #tpu.memory_space<hbm>>
      tpu.wait_indirect_dma semaphore(%arg11 : memref<!tpu.dma_semaphore, #tpu.memory_space<semaphore_mem>>) src(%dma_wait3A_13 : memref<10000x128xf32, #tpu.memory_space<hbm>>) dst(%arg9 : memref<128x128xf32, #tpu.memory_space<vmem>>)
      "tpu.region"() ({
        %run_scoped3A = tpu.sem_alloc : memref<!tpu.dma_semaphore, #tpu.memory_space<semaphore_mem>>
        %dma_start3A_14 = arith.constant 0 : i32
        %dma_start3A_15 = arith.constant 0 : i32
        %dma_start3A_16 = tpu.memref_slice %arg10[%dma_start3A_14, %dma_start3A_15] : memref<10112x128xf32, #tpu.memory_space<vmem_shared>> -> memref<10112x128xf32, #tpu.memory_space<vmem_shared>>
        tpu.enqueue_indirect_dma source(%arg9 : memref<128x128xf32, #tpu.memory_space<vmem>>) target(%dma_start3A_16 : memref<10112x128xf32, #tpu.memory_space<vmem_shared>>) offsets(%arg8 : memref<128xi32, #tpu.memory_space<vmem>>) semaphore(%run_scoped3A : memref<!tpu.dma_semaphore, #tpu.memory_space<semaphore_mem>>) {add = true}
        %dma_wait3A_17 = arith.constant 0 : i32
        %dma_wait3A_18 = arith.constant 0 : i32
        %dma_wait3A_19 = tpu.memref_slice %arg10[%dma_wait3A_17, %dma_wait3A_18] : memref<10112x128xf32, #tpu.memory_space<vmem_shared>> -> memref<10112x128xf32, #tpu.memory_space<vmem_shared>>
        tpu.wait_indirect_dma semaphore(%run_scoped3A : memref<!tpu.dma_semaphore, #tpu.memory_space<semaphore_mem>>) src(%arg9 : memref<128x128xf32, #tpu.memory_space<vmem>>) dst(%dma_wait3A_19 : memref<10112x128xf32, #tpu.memory_space<vmem_shared>>)
        tpu.yield
      }) : () -> ()
    }
    %scan3A_7 = arith.constant 79 : i32
    %barrier3A_8 = arith.constant 0 : index
    tpu.barrier barrier_id(%barrier3A_8)
    "tpu.region"() ({
      %run_scoped3A = tpu.sem_alloc : memref<!tpu.dma_semaphore, #tpu.memory_space<semaphore_mem>>
      %dma_start3A = arith.constant 0 : i32
      %dma_start3A_9 = tpu.memref_slice %arg6[%arg0, %mul3A_2, %dma_start3A] : memref<2x10112x128xf32, #tpu.memory_space<hbm>> -> memref<1x632x128xf32, #tpu.memory_space<hbm>>
      %dma_start3A_10 = tpu.memref_squeeze %dma_start3A_9 : memref<1x632x128xf32, #tpu.memory_space<hbm>> -> memref<632x128xf32, #tpu.memory_space<hbm>>
      %dma_start3A_11 = arith.constant 0 : i32
      %dma_start3A_12 = tpu.memref_slice %arg10[%mul3A_2, %dma_start3A_11] : memref<10112x128xf32, #tpu.memory_space<vmem_shared>> -> memref<632x128xf32, #tpu.memory_space<vmem_shared>>
      tpu.enqueue_dma source(%dma_start3A_12 : memref<632x128xf32, #tpu.memory_space<vmem_shared>>) target(%dma_start3A_10 : memref<632x128xf32, #tpu.memory_space<hbm>>) target_semaphore(%run_scoped3A : memref<!tpu.dma_semaphore, #tpu.memory_space<semaphore_mem>>)
      %dma_wait3A = arith.constant 0 : i32
      %dma_wait3A_13 = tpu.memref_slice %arg6[%arg0, %mul3A_2, %dma_wait3A] : memref<2x10112x128xf32, #tpu.memory_space<hbm>> -> memref<1x632x128xf32, #tpu.memory_space<hbm>>
      %dma_wait3A_14 = tpu.memref_squeeze %dma_wait3A_13 : memref<1x632x128xf32, #tpu.memory_space<hbm>> -> memref<632x128xf32, #tpu.memory_space<hbm>>
      %dma_wait3A_15 = arith.constant 0 : i32
      %dma_wait3A_16 = tpu.memref_slice %arg10[%mul3A_2, %dma_wait3A_15] : memref<10112x128xf32, #tpu.memory_space<vmem_shared>> -> memref<632x128xf32, #tpu.memory_space<vmem_shared>>
      tpu.wait_dma2 semaphore(%run_scoped3A : memref<!tpu.dma_semaphore, #tpu.memory_space<semaphore_mem>>) src(%dma_wait3A_16 : memref<632x128xf32, #tpu.memory_space<vmem_shared>>) dst(%dma_wait3A_14 : memref<632x128xf32, #tpu.memory_space<hbm>>)
      tpu.yield
    }) : () -> ()
    return
  }
}

#map = affine_map<(d0, d1) -> (0, 0)>
#map1 = affine_map<(d0, d1) -> (0, 0, 0)>
module attributes {stable_mosaic.version = 14 : i64} {
  func.func @k(%arg0: i32, %arg1: i32, %arg2: memref<128x128xf32, #tpu.memory_space<hbm>>, %arg3: memref<32x79x128xi32, #tpu.memory_space<hbm>>, %arg4: memref<32x79x128xi32, #tpu.memory_space<hbm>>, %arg5: memref<10112x128xf32, #tpu.memory_space<hbm>>, %arg6: memref<2x10112x128xf32, #tpu.memory_space<hbm>>, %arg7: memref<128xi32, #tpu.memory_space<vmem>>, %arg8: memref<128xi32, #tpu.memory_space<vmem>>, %arg9: memref<128x128xf32, #tpu.memory_space<vmem>>, %arg10: memref<10112x128xf32, #tpu.memory_space<vmem_shared>>, %arg11: memref<!tpu.dma_semaphore, #tpu.memory_space<semaphore_mem>>) attributes {dimension_semantics = [#tpu.dimension_semantics<core_parallel>, #tpu.dimension_semantics<subcore_parallel>], iteration_bounds = array<i64: 2, 16>, scalar_prefetch = 0 : i64, scratch_operands = 5 : i64, tpu.core_type = #tpu.core_type<sc_vector_subcore>, window_params = [{transform_indices = #map}, {transform_indices = #map1}, {transform_indices = #map1}, {transform_indices = #map}, {transform_indices = #map1}]} {
    %mul3A = arith.constant 16 : i32
    %mul3A_0 = arith.muli %arg0, %mul3A : i32
    %add3A = arith.addi %mul3A_0, %arg1 : i32
    %mul3A_1 = arith.constant 632 : i32
    %mul3A_2 = arith.muli %arg1, %mul3A_1 : i32
    "tpu.region"() ({
      %run_scoped3A = tpu.sem_alloc : memref<!tpu.dma_semaphore, #tpu.memory_space<semaphore_mem>>
      %dma_start3A = arith.constant 0 : i32
      %dma_start3A_9 = tpu.memref_slice %arg10[%mul3A_2, %dma_start3A] : memref<10112x128xf32, #tpu.memory_space<vmem_shared>> -> memref<632x128xf32, #tpu.memory_space<vmem_shared>>
      %dma_start3A_10 = arith.constant 0 : i32
      %dma_start3A_11 = tpu.memref_slice %arg5[%mul3A_2, %dma_start3A_10] : memref<10112x128xf32, #tpu.memory_space<hbm>> -> memref<632x128xf32, #tpu.memory_space<hbm>>
      tpu.enqueue_dma source(%dma_start3A_11 : memref<632x128xf32, #tpu.memory_space<hbm>>) target(%dma_start3A_9 : memref<632x128xf32, #tpu.memory_space<vmem_shared>>) target_semaphore(%run_scoped3A : memref<!tpu.dma_semaphore, #tpu.memory_space<semaphore_mem>>)
      %dma_wait3A = arith.constant 0 : i32
      %dma_wait3A_12 = tpu.memref_slice %arg10[%mul3A_2, %dma_wait3A] : memref<10112x128xf32, #tpu.memory_space<vmem_shared>> -> memref<632x128xf32, #tpu.memory_space<vmem_shared>>
      %dma_wait3A_13 = arith.constant 0 : i32
      %dma_wait3A_14 = tpu.memref_slice %arg5[%mul3A_2, %dma_wait3A_13] : memref<10112x128xf32, #tpu.memory_space<hbm>> -> memref<632x128xf32, #tpu.memory_space<hbm>>
      tpu.wait_dma2 semaphore(%run_scoped3A : memref<!tpu.dma_semaphore, #tpu.memory_space<semaphore_mem>>) src(%dma_wait3A_14 : memref<632x128xf32, #tpu.memory_space<hbm>>) dst(%dma_wait3A_12 : memref<632x128xf32, #tpu.memory_space<vmem_shared>>)
      tpu.yield
    }) : () -> ()
    "tpu.region"() ({
      %run_scoped3A = tpu.sem_alloc : memref<!tpu.dma_semaphore, #tpu.memory_space<semaphore_mem>>
      tpu.enqueue_dma source(%arg2 : memref<128x128xf32, #tpu.memory_space<hbm>>) target(%arg9 : memref<128x128xf32, #tpu.memory_space<vmem>>) target_semaphore(%run_scoped3A : memref<!tpu.dma_semaphore, #tpu.memory_space<semaphore_mem>>)
      tpu.wait_dma2 semaphore(%run_scoped3A : memref<!tpu.dma_semaphore, #tpu.memory_space<semaphore_mem>>) src(%arg2 : memref<128x128xf32, #tpu.memory_space<hbm>>) dst(%arg9 : memref<128x128xf32, #tpu.memory_space<vmem>>)
      tpu.yield
    }) : () -> ()
    %barrier3A = arith.constant 0 : index
    tpu.barrier barrier_id(%barrier3A)
    %scan3A = arith.constant 0 : i32
    %scan3A_3 = arith.constant 0 : i32
    %scan3A_4 = arith.constant 79 : i32
    %scan3A_5 = arith.addi %scan3A_3, %scan3A_4 : i32
    %scan3A_6 = arith.constant 1 : i32
    scf.for %scan3A_9 = %scan3A_3 to %scan3A_5 step %scan3A_6  : i32 {
      "tpu.region"() ({
        %run_scoped3A = tpu.sem_alloc : memref<!tpu.dma_semaphore, #tpu.memory_space<semaphore_mem>>
        %dma_start3A = arith.constant 0 : i32
        %dma_start3A_10 = tpu.memref_slice %arg4[%add3A, %scan3A_9, %dma_start3A] : memref<32x79x128xi32, #tpu.memory_space<hbm>> -> memref<1x1x128xi32, #tpu.memory_space<hbm>>
        %dma_start3A_11 = tpu.memref_squeeze %dma_start3A_10 : memref<1x1x128xi32, #tpu.memory_space<hbm>> -> memref<128xi32, #tpu.memory_space<hbm>>
        %dma_start3A_12 = arith.constant 0 : i32
        %dma_start3A_13 = tpu.memref_slice %arg4[%add3A, %scan3A_9, %dma_start3A_12] : memref<32x79x128xi32, #tpu.memory_space<hbm>> -> memref<1x1x128xi32, #tpu.memory_space<hbm>>
        %dma_start3A_14 = tpu.memref_squeeze %dma_start3A_13 : memref<1x1x128xi32, #tpu.memory_space<hbm>> -> memref<128xi32, #tpu.memory_space<hbm>>
        tpu.enqueue_dma source(%dma_start3A_14 : memref<128xi32, #tpu.memory_space<hbm>>) target(%arg8 : memref<128xi32, #tpu.memory_space<vmem>>) target_semaphore(%run_scoped3A : memref<!tpu.dma_semaphore, #tpu.memory_space<semaphore_mem>>)
        %dma_wait3A = arith.constant 0 : i32
        %dma_wait3A_15 = tpu.memref_slice %arg4[%add3A, %scan3A_9, %dma_wait3A] : memref<32x79x128xi32, #tpu.memory_space<hbm>> -> memref<1x1x128xi32, #tpu.memory_space<hbm>>
        %dma_wait3A_16 = tpu.memref_squeeze %dma_wait3A_15 : memref<1x1x128xi32, #tpu.memory_space<hbm>> -> memref<128xi32, #tpu.memory_space<hbm>>
        %dma_wait3A_17 = arith.constant 0 : i32
        %dma_wait3A_18 = tpu.memref_slice %arg4[%add3A, %scan3A_9, %dma_wait3A_17] : memref<32x79x128xi32, #tpu.memory_space<hbm>> -> memref<1x1x128xi32, #tpu.memory_space<hbm>>
        %dma_wait3A_19 = tpu.memref_squeeze %dma_wait3A_18 : memref<1x1x128xi32, #tpu.memory_space<hbm>> -> memref<128xi32, #tpu.memory_space<hbm>>
        tpu.wait_dma2 semaphore(%run_scoped3A : memref<!tpu.dma_semaphore, #tpu.memory_space<semaphore_mem>>) src(%dma_wait3A_19 : memref<128xi32, #tpu.memory_space<hbm>>) dst(%arg8 : memref<128xi32, #tpu.memory_space<vmem>>)
        tpu.yield
      }) : () -> ()
      "tpu.region"() ({
        %run_scoped3A = tpu.sem_alloc : memref<!tpu.dma_semaphore, #tpu.memory_space<semaphore_mem>>
        %dma_start3A = arith.constant 0 : i32
        %dma_start3A_10 = arith.constant 0 : i32
        %dma_start3A_11 = tpu.memref_slice %arg10[%dma_start3A, %dma_start3A_10] : memref<10112x128xf32, #tpu.memory_space<vmem_shared>> -> memref<10112x128xf32, #tpu.memory_space<vmem_shared>>
        tpu.enqueue_indirect_dma source(%arg9 : memref<128x128xf32, #tpu.memory_space<vmem>>) target(%dma_start3A_11 : memref<10112x128xf32, #tpu.memory_space<vmem_shared>>) offsets(%arg8 : memref<128xi32, #tpu.memory_space<vmem>>) semaphore(%run_scoped3A : memref<!tpu.dma_semaphore, #tpu.memory_space<semaphore_mem>>) {add = true}
        %dma_wait3A = arith.constant 0 : i32
        %dma_wait3A_12 = arith.constant 0 : i32
        %dma_wait3A_13 = tpu.memref_slice %arg10[%dma_wait3A, %dma_wait3A_12] : memref<10112x128xf32, #tpu.memory_space<vmem_shared>> -> memref<10112x128xf32, #tpu.memory_space<vmem_shared>>
        tpu.wait_indirect_dma semaphore(%run_scoped3A : memref<!tpu.dma_semaphore, #tpu.memory_space<semaphore_mem>>) src(%arg9 : memref<128x128xf32, #tpu.memory_space<vmem>>) dst(%dma_wait3A_13 : memref<10112x128xf32, #tpu.memory_space<vmem_shared>>)
        tpu.yield
      }) : () -> ()
    }
    %scan3A_7 = arith.constant 79 : i32
    %barrier3A_8 = arith.constant 0 : index
    tpu.barrier barrier_id(%barrier3A_8)
    "tpu.region"() ({
      %run_scoped3A = tpu.sem_alloc : memref<!tpu.dma_semaphore, #tpu.memory_space<semaphore_mem>>
      %dma_start3A = arith.constant 0 : i32
      %dma_start3A_9 = tpu.memref_slice %arg6[%arg0, %mul3A_2, %dma_start3A] : memref<2x10112x128xf32, #tpu.memory_space<hbm>> -> memref<1x632x128xf32, #tpu.memory_space<hbm>>
      %dma_start3A_10 = tpu.memref_squeeze %dma_start3A_9 : memref<1x632x128xf32, #tpu.memory_space<hbm>> -> memref<632x128xf32, #tpu.memory_space<hbm>>
      %dma_start3A_11 = arith.constant 0 : i32
      %dma_start3A_12 = tpu.memref_slice %arg10[%mul3A_2, %dma_start3A_11] : memref<10112x128xf32, #tpu.memory_space<vmem_shared>> -> memref<632x128xf32, #tpu.memory_space<vmem_shared>>
      tpu.enqueue_dma source(%dma_start3A_12 : memref<632x128xf32, #tpu.memory_space<vmem_shared>>) target(%dma_start3A_10 : memref<632x128xf32, #tpu.memory_space<hbm>>) target_semaphore(%run_scoped3A : memref<!tpu.dma_semaphore, #tpu.memory_space<semaphore_mem>>)
      %dma_wait3A = arith.constant 0 : i32
      %dma_wait3A_13 = tpu.memref_slice %arg6[%arg0, %mul3A_2, %dma_wait3A] : memref<2x10112x128xf32, #tpu.memory_space<hbm>> -> memref<1x632x128xf32, #tpu.memory_space<hbm>>
      %dma_wait3A_14 = tpu.memref_squeeze %dma_wait3A_13 : memref<1x632x128xf32, #tpu.memory_space<hbm>> -> memref<632x128xf32, #tpu.memory_space<hbm>>
      %dma_wait3A_15 = arith.constant 0 : i32
      %dma_wait3A_16 = tpu.memref_slice %arg10[%mul3A_2, %dma_wait3A_15] : memref<10112x128xf32, #tpu.memory_space<vmem_shared>> -> memref<632x128xf32, #tpu.memory_space<vmem_shared>>
      tpu.wait_dma2 semaphore(%run_scoped3A : memref<!tpu.dma_semaphore, #tpu.memory_space<semaphore_mem>>) src(%dma_wait3A_16 : memref<632x128xf32, #tpu.memory_space<vmem_shared>>) dst(%dma_wait3A_14 : memref<632x128xf32, #tpu.memory_space<hbm>>)
      tpu.yield
    }) : () -> ()
    return
  }
}

#map = affine_map<(d0, d1) -> (0, 0)>
#map1 = affine_map<(d0, d1) -> (0, 0, 0)>
module attributes {stable_mosaic.version = 14 : i64} {
  func.func @k(%arg0: i32, %arg1: i32, %arg2: memref<10000x128xf32, #tpu.memory_space<hbm>>, %arg3: memref<32x79x128xi32, #tpu.memory_space<hbm>>, %arg4: memref<32x79x128xi32, #tpu.memory_space<hbm>>, %arg5: memref<10112x128xf32, #tpu.memory_space<hbm>>, %arg6: memref<2x10112x128xf32, #tpu.memory_space<hbm>>, %arg7: memref<128xi32, #tpu.memory_space<vmem>>, %arg8: memref<128xi32, #tpu.memory_space<vmem>>, %arg9: memref<128x128xf32, #tpu.memory_space<vmem>>, %arg10: memref<10112x128xf32, #tpu.memory_space<vmem_shared>>, %arg11: memref<!tpu.dma_semaphore, #tpu.memory_space<semaphore_mem>>) attributes {dimension_semantics = [#tpu.dimension_semantics<core_parallel>, #tpu.dimension_semantics<subcore_parallel>], iteration_bounds = array<i64: 2, 16>, scalar_prefetch = 0 : i64, scratch_operands = 5 : i64, tpu.core_type = #tpu.core_type<sc_vector_subcore>, window_params = [{transform_indices = #map}, {transform_indices = #map1}, {transform_indices = #map1}, {transform_indices = #map}, {transform_indices = #map1}]} {
    %mul3A = arith.constant 16 : i32
    %mul3A_0 = arith.muli %arg0, %mul3A : i32
    %add3A = arith.addi %mul3A_0, %arg1 : i32
    %mul3A_1 = arith.constant 632 : i32
    %mul3A_2 = arith.muli %arg1, %mul3A_1 : i32
    "tpu.region"() ({
      %run_scoped3A = tpu.sem_alloc : memref<!tpu.dma_semaphore, #tpu.memory_space<semaphore_mem>>
      %dma_start3A = arith.constant 0 : i32
      %dma_start3A_9 = tpu.memref_slice %arg10[%mul3A_2, %dma_start3A] : memref<10112x128xf32, #tpu.memory_space<vmem_shared>> -> memref<632x128xf32, #tpu.memory_space<vmem_shared>>
      %dma_start3A_10 = arith.constant 0 : i32
      %dma_start3A_11 = tpu.memref_slice %arg5[%mul3A_2, %dma_start3A_10] : memref<10112x128xf32, #tpu.memory_space<hbm>> -> memref<632x128xf32, #tpu.memory_space<hbm>>
      tpu.enqueue_dma source(%dma_start3A_11 : memref<632x128xf32, #tpu.memory_space<hbm>>) target(%dma_start3A_9 : memref<632x128xf32, #tpu.memory_space<vmem_shared>>) target_semaphore(%run_scoped3A : memref<!tpu.dma_semaphore, #tpu.memory_space<semaphore_mem>>)
      %dma_wait3A = arith.constant 0 : i32
      %dma_wait3A_12 = tpu.memref_slice %arg10[%mul3A_2, %dma_wait3A] : memref<10112x128xf32, #tpu.memory_space<vmem_shared>> -> memref<632x128xf32, #tpu.memory_space<vmem_shared>>
      %dma_wait3A_13 = arith.constant 0 : i32
      %dma_wait3A_14 = tpu.memref_slice %arg5[%mul3A_2, %dma_wait3A_13] : memref<10112x128xf32, #tpu.memory_space<hbm>> -> memref<632x128xf32, #tpu.memory_space<hbm>>
      tpu.wait_dma2 semaphore(%run_scoped3A : memref<!tpu.dma_semaphore, #tpu.memory_space<semaphore_mem>>) src(%dma_wait3A_14 : memref<632x128xf32, #tpu.memory_space<hbm>>) dst(%dma_wait3A_12 : memref<632x128xf32, #tpu.memory_space<vmem_shared>>)
      tpu.yield
    }) : () -> ()
    %barrier3A = arith.constant 0 : index
    tpu.barrier barrier_id(%barrier3A)
    %scan3A = arith.constant 0 : i32
    %scan3A_3 = arith.constant 0 : i32
    %scan3A_4 = arith.constant 79 : i32
    %scan3A_5 = arith.addi %scan3A_3, %scan3A_4 : i32
    %scan3A_6 = arith.constant 1 : i32
    scf.for %scan3A_9 = %scan3A_3 to %scan3A_5 step %scan3A_6  : i32 {
      "tpu.region"() ({
        %run_scoped3A = tpu.sem_alloc : memref<!tpu.dma_semaphore, #tpu.memory_space<semaphore_mem>>
        %dma_start3A_14 = arith.constant 0 : i32
        %dma_start3A_15 = tpu.memref_slice %arg4[%add3A, %scan3A_9, %dma_start3A_14] : memref<32x79x128xi32, #tpu.memory_space<hbm>> -> memref<1x1x128xi32, #tpu.memory_space<hbm>>
        %dma_start3A_16 = tpu.memref_squeeze %dma_start3A_15 : memref<1x1x128xi32, #tpu.memory_space<hbm>> -> memref<128xi32, #tpu.memory_space<hbm>>
        %dma_start3A_17 = arith.constant 0 : i32
        %dma_start3A_18 = tpu.memref_slice %arg4[%add3A, %scan3A_9, %dma_start3A_17] : memref<32x79x128xi32, #tpu.memory_space<hbm>> -> memref<1x1x128xi32, #tpu.memory_space<hbm>>
        %dma_start3A_19 = tpu.memref_squeeze %dma_start3A_18 : memref<1x1x128xi32, #tpu.memory_space<hbm>> -> memref<128xi32, #tpu.memory_space<hbm>>
        tpu.enqueue_dma source(%dma_start3A_19 : memref<128xi32, #tpu.memory_space<hbm>>) target(%arg8 : memref<128xi32, #tpu.memory_space<vmem>>) target_semaphore(%run_scoped3A : memref<!tpu.dma_semaphore, #tpu.memory_space<semaphore_mem>>)
        %dma_wait3A_20 = arith.constant 0 : i32
        %dma_wait3A_21 = tpu.memref_slice %arg4[%add3A, %scan3A_9, %dma_wait3A_20] : memref<32x79x128xi32, #tpu.memory_space<hbm>> -> memref<1x1x128xi32, #tpu.memory_space<hbm>>
        %dma_wait3A_22 = tpu.memref_squeeze %dma_wait3A_21 : memref<1x1x128xi32, #tpu.memory_space<hbm>> -> memref<128xi32, #tpu.memory_space<hbm>>
        %dma_wait3A_23 = arith.constant 0 : i32
        %dma_wait3A_24 = tpu.memref_slice %arg4[%add3A, %scan3A_9, %dma_wait3A_23] : memref<32x79x128xi32, #tpu.memory_space<hbm>> -> memref<1x1x128xi32, #tpu.memory_space<hbm>>
        %dma_wait3A_25 = tpu.memref_squeeze %dma_wait3A_24 : memref<1x1x128xi32, #tpu.memory_space<hbm>> -> memref<128xi32, #tpu.memory_space<hbm>>
        tpu.wait_dma2 semaphore(%run_scoped3A : memref<!tpu.dma_semaphore, #tpu.memory_space<semaphore_mem>>) src(%dma_wait3A_25 : memref<128xi32, #tpu.memory_space<hbm>>) dst(%arg8 : memref<128xi32, #tpu.memory_space<vmem>>)
        tpu.yield
      }) : () -> ()
      "tpu.region"() ({
        %run_scoped3A = tpu.sem_alloc : memref<!tpu.dma_semaphore, #tpu.memory_space<semaphore_mem>>
        %dma_start3A_14 = arith.constant 0 : i32
        %dma_start3A_15 = tpu.memref_slice %arg3[%add3A, %scan3A_9, %dma_start3A_14] : memref<32x79x128xi32, #tpu.memory_space<hbm>> -> memref<1x1x128xi32, #tpu.memory_space<hbm>>
        %dma_start3A_16 = tpu.memref_squeeze %dma_start3A_15 : memref<1x1x128xi32, #tpu.memory_space<hbm>> -> memref<128xi32, #tpu.memory_space<hbm>>
        %dma_start3A_17 = arith.constant 0 : i32
        %dma_start3A_18 = tpu.memref_slice %arg3[%add3A, %scan3A_9, %dma_start3A_17] : memref<32x79x128xi32, #tpu.memory_space<hbm>> -> memref<1x1x128xi32, #tpu.memory_space<hbm>>
        %dma_start3A_19 = tpu.memref_squeeze %dma_start3A_18 : memref<1x1x128xi32, #tpu.memory_space<hbm>> -> memref<128xi32, #tpu.memory_space<hbm>>
        tpu.enqueue_dma source(%dma_start3A_19 : memref<128xi32, #tpu.memory_space<hbm>>) target(%arg7 : memref<128xi32, #tpu.memory_space<vmem>>) target_semaphore(%run_scoped3A : memref<!tpu.dma_semaphore, #tpu.memory_space<semaphore_mem>>)
        %dma_wait3A_20 = arith.constant 0 : i32
        %dma_wait3A_21 = tpu.memref_slice %arg3[%add3A, %scan3A_9, %dma_wait3A_20] : memref<32x79x128xi32, #tpu.memory_space<hbm>> -> memref<1x1x128xi32, #tpu.memory_space<hbm>>
        %dma_wait3A_22 = tpu.memref_squeeze %dma_wait3A_21 : memref<1x1x128xi32, #tpu.memory_space<hbm>> -> memref<128xi32, #tpu.memory_space<hbm>>
        %dma_wait3A_23 = arith.constant 0 : i32
        %dma_wait3A_24 = tpu.memref_slice %arg3[%add3A, %scan3A_9, %dma_wait3A_23] : memref<32x79x128xi32, #tpu.memory_space<hbm>> -> memref<1x1x128xi32, #tpu.memory_space<hbm>>
        %dma_wait3A_25 = tpu.memref_squeeze %dma_wait3A_24 : memref<1x1x128xi32, #tpu.memory_space<hbm>> -> memref<128xi32, #tpu.memory_space<hbm>>
        tpu.wait_dma2 semaphore(%run_scoped3A : memref<!tpu.dma_semaphore, #tpu.memory_space<semaphore_mem>>) src(%dma_wait3A_25 : memref<128xi32, #tpu.memory_space<hbm>>) dst(%arg7 : memref<128xi32, #tpu.memory_space<vmem>>)
        tpu.yield
      }) : () -> ()
      %dma_start3A = arith.constant 0 : i32
      %dma_start3A_10 = arith.constant 0 : i32
      %dma_start3A_11 = tpu.memref_slice %arg2[%dma_start3A, %dma_start3A_10] : memref<10000x128xf32, #tpu.memory_space<hbm>> -> memref<10000x128xf32, #tpu.memory_space<hbm>>
      tpu.enqueue_indirect_dma source(%dma_start3A_11 : memref<10000x128xf32, #tpu.memory_space<hbm>>) target(%arg9 : memref<128x128xf32, #tpu.memory_space<vmem>>) offsets(%arg7 : memref<128xi32, #tpu.memory_space<vmem>>) semaphore(%arg11 : memref<!tpu.dma_semaphore, #tpu.memory_space<semaphore_mem>>)
      %dma_wait3A = arith.constant 0 : i32
      %dma_wait3A_12 = arith.constant 0 : i32
      %dma_wait3A_13 = tpu.memref_slice %arg2[%dma_wait3A, %dma_wait3A_12] : memref<10000x128xf32, #tpu.memory_space<hbm>> -> memref<10000x128xf32, #tpu.memory_space<hbm>>
      tpu.wait_indirect_dma semaphore(%arg11 : memref<!tpu.dma_semaphore, #tpu.memory_space<semaphore_mem>>) src(%dma_wait3A_13 : memref<10000x128xf32, #tpu.memory_space<hbm>>) dst(%arg9 : memref<128x128xf32, #tpu.memory_space<vmem>>)
      "tpu.region"() ({
        %run_scoped3A = tpu.sem_alloc : memref<!tpu.dma_semaphore, #tpu.memory_space<semaphore_mem>>
        %dma_start3A_14 = arith.constant 0 : i32
        %dma_start3A_15 = arith.constant 0 : i32
        %dma_start3A_16 = tpu.memref_slice %arg10[%dma_start3A_14, %dma_start3A_15] : memref<10112x128xf32, #tpu.memory_space<vmem_shared>> -> memref<10112x128xf32, #tpu.memory_space<vmem_shared>>
        tpu.enqueue_indirect_dma source(%arg9 : memref<128x128xf32, #tpu.memory_space<vmem>>) target(%dma_start3A_16 : memref<10112x128xf32, #tpu.memory_space<vmem_shared>>) offsets(%arg8 : memref<128xi32, #tpu.memory_space<vmem>>) semaphore(%run_scoped3A : memref<!tpu.dma_semaphore, #tpu.memory_space<semaphore_mem>>) {add = true}
        %dma_wait3A_17 = arith.constant 0 : i32
        %dma_wait3A_18 = arith.constant 0 : i32
        %dma_wait3A_19 = tpu.memref_slice %arg10[%dma_wait3A_17, %dma_wait3A_18] : memref<10112x128xf32, #tpu.memory_space<vmem_shared>> -> memref<10112x128xf32, #tpu.memory_space<vmem_shared>>
        tpu.wait_indirect_dma semaphore(%run_scoped3A : memref<!tpu.dma_semaphore, #tpu.memory_space<semaphore_mem>>) src(%arg9 : memref<128x128xf32, #tpu.memory_space<vmem>>) dst(%dma_wait3A_19 : memref<10112x128xf32, #tpu.memory_space<vmem_shared>>)
        tpu.yield
      }) : () -> ()
    }
    %scan3A_7 = arith.constant 79 : i32
    %barrier3A_8 = arith.constant 0 : index
    tpu.barrier barrier_id(%barrier3A_8)
    "tpu.region"() ({
      %run_scoped3A = tpu.sem_alloc : memref<!tpu.dma_semaphore, #tpu.memory_space<semaphore_mem>>
      %dma_start3A = arith.constant 0 : i32
      %dma_start3A_9 = tpu.memref_slice %arg6[%arg0, %mul3A_2, %dma_start3A] : memref<2x10112x128xf32, #tpu.memory_space<hbm>> -> memref<1x632x128xf32, #tpu.memory_space<hbm>>
      %dma_start3A_10 = tpu.memref_squeeze %dma_start3A_9 : memref<1x632x128xf32, #tpu.memory_space<hbm>> -> memref<632x128xf32, #tpu.memory_space<hbm>>
      %dma_start3A_11 = arith.constant 0 : i32
      %dma_start3A_12 = tpu.memref_slice %arg10[%mul3A_2, %dma_start3A_11] : memref<10112x128xf32, #tpu.memory_space<vmem_shared>> -> memref<632x128xf32, #tpu.memory_space<vmem_shared>>
      tpu.enqueue_dma source(%dma_start3A_12 : memref<632x128xf32, #tpu.memory_space<vmem_shared>>) target(%dma_start3A_10 : memref<632x128xf32, #tpu.memory_space<hbm>>) target_semaphore(%run_scoped3A : memref<!tpu.dma_semaphore, #tpu.memory_space<semaphore_mem>>)
      %dma_wait3A = arith.constant 0 : i32
      %dma_wait3A_13 = tpu.memref_slice %arg6[%arg0, %mul3A_2, %dma_wait3A] : memref<2x10112x128xf32, #tpu.memory_space<hbm>> -> memref<1x632x128xf32, #tpu.memory_space<hbm>>
      %dma_wait3A_14 = tpu.memref_squeeze %dma_wait3A_13 : memref<1x632x128xf32, #tpu.memory_space<hbm>> -> memref<632x128xf32, #tpu.memory_space<hbm>>
      %dma_wait3A_15 = arith.constant 0 : i32
      %dma_wait3A_16 = tpu.memref_slice %arg10[%mul3A_2, %dma_wait3A_15] : memref<10112x128xf32, #tpu.memory_space<vmem_shared>> -> memref<632x128xf32, #tpu.memory_space<vmem_shared>>
      tpu.wait_dma2 semaphore(%run_scoped3A : memref<!tpu.dma_semaphore, #tpu.memory_space<semaphore_mem>>) src(%dma_wait3A_16 : memref<632x128xf32, #tpu.memory_space<vmem_shared>>) dst(%dma_wait3A_14 : memref<632x128xf32, #tpu.memory_space<hbm>>)
      tpu.yield
    }) : () -> ()
    return
  }
}

module attributes {stable_mosaic.version = 14 : i64} {
  func.func @body(%arg0: i32, %arg1: memref<2000x128xf32, #tpu.memory_space<vmem>>, %arg2: memref<128x128xf32, #tpu.memory_space<vmem>>, %arg3: memref<1x2000x128xf32, #tpu.memory_space<vmem>>, %arg4: memref<1x2000x128xf32, #tpu.memory_space<vmem>>, %arg5: memref<2000x128xf32, #tpu.memory_space<vmem>>) attributes {dimension_semantics = [#tpu.dimension_semantics<arbitrary>], iteration_bounds = array<i64: 5>, scalar_prefetch = 0 : i64, scratch_operands = 0 : i64, tpu.core_type = #tpu.core_type<tc>, window_params = [{transform_indices = @transform_0, window_bounds = array<i64: 2000, 128>}, {pipeline_mode = #tpu.pipeline_mode<synchronous>, transform_indices = @transform_1, window_bounds = array<i64: 128, 128>}, {transform_indices = @transform_2, window_bounds = array<i64: 1, 2000, 128>}, {transform_indices = @transform_3, window_bounds = array<i64: 1, 2000, 128>}, {transform_indices = @transform_4, window_bounds = array<i64: 2000, 128>}]} {
    %get3A = arith.constant 0 : index
    %get3A_0 = arith.constant 0 : index
    %get3A_1 = arith.constant 0 : index
    %get3A_2 = vector.load %arg3[%get3A, %get3A_0, %get3A_1] : memref<1x2000x128xf32, #tpu.memory_space<vmem>>, vector<1x2000x128xf32>
    %get3A_3 = vector.shape_cast %get3A_2 : vector<1x2000x128xf32> to vector<2000x128xf32>
    %slice3A = vector.extract_strided_slice %get3A_3 {offsets = [0, 0], sizes = [2000, 1], strides = [1, 1]} : vector<2000x128xf32> to vector<2000x1xf32>
    %get3A_4 = arith.constant 0 : index
    %get3A_5 = arith.constant 0 : index
    %get3A_6 = arith.constant 0 : index
    %get3A_7 = vector.load %arg4[%get3A_4, %get3A_5, %get3A_6] : memref<1x2000x128xf32, #tpu.memory_space<vmem>>, vector<1x2000x128xf32>
    %get3A_8 = vector.shape_cast %get3A_7 : vector<1x2000x128xf32> to vector<2000x128xf32>
    %slice3A_9 = vector.extract_strided_slice %get3A_8 {offsets = [0, 0], sizes = [2000, 1], strides = [1, 1]} : vector<2000x128xf32> to vector<2000x1xf32>
    %add3A = arith.addf %slice3A, %slice3A_9 : vector<2000x1xf32>
    %add3A_10 = arith.constant 1.000000e+00 : f32
    %add3A_11 = vector.broadcast %add3A_10 : f32 to vector<2000x1xf32>
    %add3A_12 = arith.addf %add3A, %add3A_11 : vector<2000x1xf32>
    %rsqrt3A = math.rsqrt %add3A_12 : vector<2000x1xf32>
    %get3A_13 = arith.constant 0 : index
    %get3A_14 = arith.constant 0 : index
    %get3A_15 = vector.load %arg1[%get3A_13, %get3A_14] : memref<2000x128xf32, #tpu.memory_space<vmem>>, vector<2000x128xf32>
    %get3A_16 = arith.constant 0 : index
    %get3A_17 = arith.constant 0 : index
    %get3A_18 = vector.load %arg2[%get3A_16, %get3A_17] : memref<128x128xf32, #tpu.memory_space<vmem>>, vector<128x128xf32>
    %dot_general3A = arith.constant dense<0.000000e+00> : vector<2000x128xf32>
    %dot_general3A_19 = tpu.matmul %get3A_15, %get3A_18, %dot_general3A {dimension_numbers = #tpu.dot_dimension_numbers<[1], [0], [0], [1], [0, 0, 1, 1], [], []>, transpose_lhs_hint = false} : vector<2000x128xf32>, vector<128x128xf32>, vector<2000x128xf32> -> vector<2000x128xf32>
    %mul3A = vector.broadcast %rsqrt3A : vector<2000x1xf32> to vector<2000x128xf32>
    %mul3A_20 = arith.mulf %dot_general3A_19, %mul3A : vector<2000x128xf32>
    %swap3A = arith.constant 0 : index
    %swap3A_21 = arith.constant 0 : index
    %swap3A_22 = vector.load %arg5[%swap3A, %swap3A_21] : memref<2000x128xf32, #tpu.memory_space<vmem>>, vector<2000x128xf32>
    tpu.vector_store %arg5[%swap3A, %swap3A_21], %mul3A_20 {strides = array<i32>} : memref<2000x128xf32, #tpu.memory_space<vmem>>, vector<2000x128xf32>,
    return
  }
  func.func @transform_0(%arg0: i32) -> (i32, i32) {
    %c0_i32 = arith.constant 0 : i32
    %c0_i32_0 = arith.constant 0 : i32
    return %arg0, %c0_i32 : i32, i32
  }
  func.func @transform_1(%arg0: i32) -> (i32, i32) {
    %c0_i32 = arith.constant 0 : i32
    %c0_i32_0 = arith.constant 0 : i32
    %c0_i32_1 = arith.constant 0 : i32
    return %c0_i32, %c0_i32_0 : i32, i32
  }
  func.func @transform_2(%arg0: i32) -> (i32, i32, i32) {
    %c0_i32 = arith.constant 0 : i32
    %c0_i32_0 = arith.constant 0 : i32
    %c0_i32_1 = arith.constant 0 : i32
    return %c0_i32, %arg0, %c0_i32_0 : i32, i32, i32
  }
  func.func @transform_3(%arg0: i32) -> (i32, i32, i32) {
    %c1_i32 = arith.constant 1 : i32
    %c0_i32 = arith.constant 0 : i32
    %c0_i32_0 = arith.constant 0 : i32
    return %c1_i32, %arg0, %c0_i32 : i32, i32, i32
  }
  func.func @transform_4(%arg0: i32) -> (i32, i32) {
    %c0_i32 = arith.constant 0 : i32
    %c0_i32_0 = arith.constant 0 : i32
    return %arg0, %c0_i32 : i32, i32
  }
}

module attributes {stable_mosaic.version = 14 : i64} {
  func.func @body(%arg0: i32, %arg1: memref<1x2000x128xf32, #tpu.memory_space<vmem>>, %arg2: memref<1x2000x128xf32, #tpu.memory_space<vmem>>, %arg3: memref<2000x128xf32, #tpu.memory_space<vmem>>, %arg4: memref<1x2000x128xf32, #tpu.memory_space<vmem>>, %arg5: memref<1x2000x128xf32, #tpu.memory_space<vmem>>, %arg6: memref<1x128xf32, #tpu.memory_space<vmem>>, %arg7: memref<128x128xf32, #tpu.memory_space<vmem>>, %arg8: memref<2000x128xf32, #tpu.memory_space<vmem>>) attributes {dimension_semantics = [#tpu.dimension_semantics<arbitrary>], iteration_bounds = array<i64: 5>, scalar_prefetch = 0 : i64, scratch_operands = 0 : i64, tpu.core_type = #tpu.core_type<tc>, window_params = [{transform_indices = @transform_0, window_bounds = array<i64: 1, 2000, 128>}, {transform_indices = @transform_1, window_bounds = array<i64: 1, 2000, 128>}, {transform_indices = @transform_2, window_bounds = array<i64: 2000, 128>}, {transform_indices = @transform_3, window_bounds = array<i64: 1, 2000, 128>}, {transform_indices = @transform_4, window_bounds = array<i64: 1, 2000, 128>}, {pipeline_mode = #tpu.pipeline_mode<synchronous>, transform_indices = @transform_5, window_bounds = array<i64: 1, 128>}, {pipeline_mode = #tpu.pipeline_mode<synchronous>, transform_indices = @transform_6, window_bounds = array<i64: 128, 128>}, {transform_indices = @transform_7, window_bounds = array<i64: 2000, 128>}]} {
    %get3A = arith.constant 0 : index
    %get3A_0 = arith.constant 0 : index
    %get3A_1 = arith.constant 0 : index
    %get3A_2 = vector.load %arg4[%get3A, %get3A_0, %get3A_1] : memref<1x2000x128xf32, #tpu.memory_space<vmem>>, vector<1x2000x128xf32>
    %get3A_3 = vector.shape_cast %get3A_2 : vector<1x2000x128xf32> to vector<2000x128xf32>
    %slice3A = vector.extract_strided_slice %get3A_3 {offsets = [0, 0], sizes = [2000, 1], strides = [1, 1]} : vector<2000x128xf32> to vector<2000x1xf32>
    %get3A_4 = arith.constant 0 : index
    %get3A_5 = arith.constant 0 : index
    %get3A_6 = arith.constant 0 : index
    %get3A_7 = vector.load %arg5[%get3A_4, %get3A_5, %get3A_6] : memref<1x2000x128xf32, #tpu.memory_space<vmem>>, vector<1x2000x128xf32>
    %get3A_8 = vector.shape_cast %get3A_7 : vector<1x2000x128xf32> to vector<2000x128xf32>
    %slice3A_9 = vector.extract_strided_slice %get3A_8 {offsets = [0, 0], sizes = [2000, 1], strides = [1, 1]} : vector<2000x128xf32> to vector<2000x1xf32>
    %add3A = arith.addf %slice3A, %slice3A_9 : vector<2000x1xf32>
    %add3A_10 = arith.constant 1.000000e+00 : f32
    %add3A_11 = vector.broadcast %add3A_10 : f32 to vector<2000x1xf32>
    %add3A_12 = arith.addf %add3A, %add3A_11 : vector<2000x1xf32>
    %rsqrt3A = math.rsqrt %add3A_12 : vector<2000x1xf32>
    %get3A_13 = arith.constant 0 : index
    %get3A_14 = arith.constant 0 : index
    %get3A_15 = arith.constant 0 : index
    %get3A_16 = vector.load %arg1[%get3A_13, %get3A_14, %get3A_15] : memref<1x2000x128xf32, #tpu.memory_space<vmem>>, vector<1x2000x128xf32>
    %get3A_17 = vector.shape_cast %get3A_16 : vector<1x2000x128xf32> to vector<2000x128xf32>
    %get3A_18 = arith.constant 0 : index
    %get3A_19 = arith.constant 0 : index
    %get3A_20 = arith.constant 0 : index
    %get3A_21 = vector.load %arg2[%get3A_18, %get3A_19, %get3A_20] : memref<1x2000x128xf32, #tpu.memory_space<vmem>>, vector<1x2000x128xf32>
    %get3A_22 = vector.shape_cast %get3A_21 : vector<1x2000x128xf32> to vector<2000x128xf32>
    %add3A_23 = arith.addf %get3A_17, %get3A_22 : vector<2000x128xf32>
    %get3A_24 = arith.constant 0 : index
    %get3A_25 = arith.constant 0 : index
    %get3A_26 = vector.load %arg3[%get3A_24, %get3A_25] : memref<2000x128xf32, #tpu.memory_space<vmem>>, vector<2000x128xf32>
    %add3A_27 = arith.addf %add3A_23, %get3A_26 : vector<2000x128xf32>
    %mul3A = vector.broadcast %rsqrt3A : vector<2000x1xf32> to vector<2000x128xf32>
    %mul3A_28 = arith.mulf %mul3A, %add3A_27 : vector<2000x128xf32>
    %get3A_29 = arith.constant 0 : index
    %get3A_30 = arith.constant 0 : index
    %get3A_31 = vector.load %arg6[%get3A_29, %get3A_30] : memref<1x128xf32, #tpu.memory_space<vmem>>, vector<1x128xf32>
    %add3A_32 = vector.broadcast %get3A_31 : vector<1x128xf32> to vector<2000x128xf32>
    %add3A_33 = arith.addf %mul3A_28, %add3A_32 : vector<2000x128xf32>
    %max3A = arith.constant 0.000000e+00 : f32
    %max3A_34 = vector.broadcast %max3A : f32 to vector<2000x128xf32>
    %max3A_35 = arith.maximumf %add3A_33, %max3A_34 : vector<2000x128xf32>
    %get3A_36 = arith.constant 0 : index
    %get3A_37 = arith.constant 0 : index
    %get3A_38 = vector.load %arg7[%get3A_36, %get3A_37] : memref<128x128xf32, #tpu.memory_space<vmem>>, vector<128x128xf32>
    %dot_general3A = arith.constant dense<0.000000e+00> : vector<2000x128xf32>
    %dot_general3A_39 = tpu.matmul %max3A_35, %get3A_38, %dot_general3A {dimension_numbers = #tpu.dot_dimension_numbers<[1], [0], [0], [1], [0, 0, 1, 1], [], []>, transpose_lhs_hint = false} : vector<2000x128xf32>, vector<128x128xf32>, vector<2000x128xf32> -> vector<2000x128xf32>
    %mul3A_40 = vector.broadcast %rsqrt3A : vector<2000x1xf32> to vector<2000x128xf32>
    %mul3A_41 = arith.mulf %dot_general3A_39, %mul3A_40 : vector<2000x128xf32>
    %swap3A = arith.constant 0 : index
    %swap3A_42 = arith.constant 0 : index
    %swap3A_43 = vector.load %arg8[%swap3A, %swap3A_42] : memref<2000x128xf32, #tpu.memory_space<vmem>>, vector<2000x128xf32>
    tpu.vector_store %arg8[%swap3A, %swap3A_42], %mul3A_41 {strides = array<i32>} : memref<2000x128xf32, #tpu.memory_space<vmem>>, vector<2000x128xf32>,
    return
  }
  func.func @transform_0(%arg0: i32) -> (i32, i32, i32) {
    %c0_i32 = arith.constant 0 : i32
    %c0_i32_0 = arith.constant 0 : i32
    %c0_i32_1 = arith.constant 0 : i32
    return %c0_i32, %arg0, %c0_i32_0 : i32, i32, i32
  }
  func.func @transform_1(%arg0: i32) -> (i32, i32, i32) {
    %c1_i32 = arith.constant 1 : i32
    %c0_i32 = arith.constant 0 : i32
    %c0_i32_0 = arith.constant 0 : i32
    return %c1_i32, %arg0, %c0_i32 : i32, i32, i32
  }
  func.func @transform_2(%arg0: i32) -> (i32, i32) {
    %c0_i32 = arith.constant 0 : i32
    %c0_i32_0 = arith.constant 0 : i32
    return %arg0, %c0_i32 : i32, i32
  }
  func.func @transform_3(%arg0: i32) -> (i32, i32, i32) {
    %c0_i32 = arith.constant 0 : i32
    %c0_i32_0 = arith.constant 0 : i32
    %c0_i32_1 = arith.constant 0 : i32
    return %c0_i32, %arg0, %c0_i32_0 : i32, i32, i32
  }
  func.func @transform_4(%arg0: i32) -> (i32, i32, i32) {
    %c1_i32 = arith.constant 1 : i32
    %c0_i32 = arith.constant 0 : i32
    %c0_i32_0 = arith.constant 0 : i32
    return %c1_i32, %arg0, %c0_i32 : i32, i32, i32
  }
  func.func @transform_5(%arg0: i32) -> (i32, i32) {
    %c0_i32 = arith.constant 0 : i32
    %c0_i32_0 = arith.constant 0 : i32
    %c0_i32_1 = arith.constant 0 : i32
    return %c0_i32, %c0_i32_0 : i32, i32
  }
  func.func @transform_6(%arg0: i32) -> (i32, i32) {
    %c0_i32 = arith.constant 0 : i32
    %c0_i32_0 = arith.constant 0 : i32
    %c0_i32_1 = arith.constant 0 : i32
    return %c0_i32, %c0_i32_0 : i32, i32
  }
  func.func @transform_7(%arg0: i32) -> (i32, i32) {
    %c0_i32 = arith.constant 0 : i32
    %c0_i32_0 = arith.constant 0 : i32
    return %arg0, %c0_i32 : i32, i32
  }
}

module attributes {stable_mosaic.version = 14 : i64} {
  func.func @body(%arg0: i32, %arg1: memref<1x2000x128xf32, #tpu.memory_space<vmem>>, %arg2: memref<1x2000x128xf32, #tpu.memory_space<vmem>>, %arg3: memref<2000x128xf32, #tpu.memory_space<vmem>>, %arg4: memref<1x2000x128xf32, #tpu.memory_space<vmem>>, %arg5: memref<1x2000x128xf32, #tpu.memory_space<vmem>>, %arg6: memref<1x128xf32, #tpu.memory_space<vmem>>, %arg7: memref<2000x1xi32, #tpu.memory_space<vmem>>, %arg8: memref<128x128xf32, #tpu.memory_space<vmem>>, %arg9: memref<128x1xf32, #tpu.memory_space<vmem>>) attributes {dimension_semantics = [#tpu.dimension_semantics<arbitrary>], iteration_bounds = array<i64: 5>, scalar_prefetch = 0 : i64, scratch_operands = 1 : i64, tpu.core_type = #tpu.core_type<tc>, window_params = [{transform_indices = @transform_0, window_bounds = array<i64: 1, 2000, 128>}, {transform_indices = @transform_1, window_bounds = array<i64: 1, 2000, 128>}, {transform_indices = @transform_2, window_bounds = array<i64: 2000, 128>}, {transform_indices = @transform_3, window_bounds = array<i64: 1, 2000, 128>}, {transform_indices = @transform_4, window_bounds = array<i64: 1, 2000, 128>}, {pipeline_mode = #tpu.pipeline_mode<synchronous>, transform_indices = @transform_5, window_bounds = array<i64: 1, 128>}, {transform_indices = @transform_6, window_bounds = array<i64: 2000, 1>}, {pipeline_mode = #tpu.pipeline_mode<synchronous>, transform_indices = @transform_7, window_bounds = array<i64: 128, 128>}]} {
    %get3A = arith.constant 0 : index
    %get3A_0 = arith.constant 0 : index
    %get3A_1 = arith.constant 0 : index
    %get3A_2 = vector.load %arg4[%get3A, %get3A_0, %get3A_1] : memref<1x2000x128xf32, #tpu.memory_space<vmem>>, vector<1x2000x128xf32>
    %get3A_3 = vector.shape_cast %get3A_2 : vector<1x2000x128xf32> to vector<2000x128xf32>
    %slice3A = vector.extract_strided_slice %get3A_3 {offsets = [0, 0], sizes = [2000, 1], strides = [1, 1]} : vector<2000x128xf32> to vector<2000x1xf32>
    %get3A_4 = arith.constant 0 : index
    %get3A_5 = arith.constant 0 : index
    %get3A_6 = arith.constant 0 : index
    %get3A_7 = vector.load %arg5[%get3A_4, %get3A_5, %get3A_6] : memref<1x2000x128xf32, #tpu.memory_space<vmem>>, vector<1x2000x128xf32>
    %get3A_8 = vector.shape_cast %get3A_7 : vector<1x2000x128xf32> to vector<2000x128xf32>
    %slice3A_9 = vector.extract_strided_slice %get3A_8 {offsets = [0, 0], sizes = [2000, 1], strides = [1, 1]} : vector<2000x128xf32> to vector<2000x1xf32>
    %add3A = arith.addf %slice3A, %slice3A_9 : vector<2000x1xf32>
    %add3A_10 = arith.constant 1.000000e+00 : f32
    %add3A_11 = vector.broadcast %add3A_10 : f32 to vector<2000x1xf32>
    %add3A_12 = arith.addf %add3A, %add3A_11 : vector<2000x1xf32>
    %rsqrt3A = math.rsqrt %add3A_12 : vector<2000x1xf32>
    %get3A_13 = arith.constant 0 : index
    %get3A_14 = arith.constant 0 : index
    %get3A_15 = arith.constant 0 : index
    %get3A_16 = vector.load %arg1[%get3A_13, %get3A_14, %get3A_15] : memref<1x2000x128xf32, #tpu.memory_space<vmem>>, vector<1x2000x128xf32>
    %get3A_17 = vector.shape_cast %get3A_16 : vector<1x2000x128xf32> to vector<2000x128xf32>
    %get3A_18 = arith.constant 0 : index
    %get3A_19 = arith.constant 0 : index
    %get3A_20 = arith.constant 0 : index
    %get3A_21 = vector.load %arg2[%get3A_18, %get3A_19, %get3A_20] : memref<1x2000x128xf32, #tpu.memory_space<vmem>>, vector<1x2000x128xf32>
    %get3A_22 = vector.shape_cast %get3A_21 : vector<1x2000x128xf32> to vector<2000x128xf32>
    %add3A_23 = arith.addf %get3A_17, %get3A_22 : vector<2000x128xf32>
    %get3A_24 = arith.constant 0 : index
    %get3A_25 = arith.constant 0 : index
    %get3A_26 = vector.load %arg3[%get3A_24, %get3A_25] : memref<2000x128xf32, #tpu.memory_space<vmem>>, vector<2000x128xf32>
    %add3A_27 = arith.addf %add3A_23, %get3A_26 : vector<2000x128xf32>
    %mul3A = vector.broadcast %rsqrt3A : vector<2000x1xf32> to vector<2000x128xf32>
    %mul3A_28 = arith.mulf %mul3A, %add3A_27 : vector<2000x128xf32>
    %get3A_29 = arith.constant 0 : index
    %get3A_30 = arith.constant 0 : index
    %get3A_31 = vector.load %arg6[%get3A_29, %get3A_30] : memref<1x128xf32, #tpu.memory_space<vmem>>, vector<1x128xf32>
    %add3A_32 = vector.broadcast %get3A_31 : vector<1x128xf32> to vector<2000x128xf32>
    %add3A_33 = arith.addf %mul3A_28, %add3A_32 : vector<2000x128xf32>
    %max3A = arith.constant 0.000000e+00 : f32
    %max3A_34 = vector.broadcast %max3A : f32 to vector<2000x128xf32>
    %max3A_35 = arith.maximumf %add3A_33, %max3A_34 : vector<2000x128xf32>
    %get3A_36 = arith.constant 0 : index
    %get3A_37 = arith.constant 0 : index
    %get3A_38 = vector.load %arg7[%get3A_36, %get3A_37] : memref<2000x1xi32, #tpu.memory_space<vmem>>, vector<2000x1xi32>
    %iota3A = tpu.iota {dimensions = array<i32: 1>} : vector<2000x128xi32>
    %eq3A = vector.broadcast %get3A_38 : vector<2000x1xi32> to vector<2000x128xi32>
    %eq3A_39 = arith.cmpi eq, %eq3A, %iota3A : vector<2000x128xi32>
    %convert_element_type3A = arith.extui %eq3A_39 : vector<2000x128xi1> to vector<2000x128xi32>
    %convert_element_type3A_40 = arith.sitofp %convert_element_type3A : vector<2000x128xi32> to vector<2000x128xf32>
    %dot_general3A = arith.constant dense<0.000000e+00> : vector<128x128xf32>
    %dot_general3A_41 = tpu.matmul %convert_element_type3A_40, %max3A_35, %dot_general3A {dimension_numbers = #tpu.dot_dimension_numbers<[0], [0], [1], [1], [0, 1, 1, 1], [], []>, transpose_lhs_hint = false} : vector<2000x128xf32>, vector<2000x128xf32>, vector<128x128xf32> -> vector<128x128xf32>
    %broadcast_in_dim3A = arith.constant 1.000000e+00 : f32
    %broadcast_in_dim3A_42 = vector.broadcast %broadcast_in_dim3A : f32 to vector<2000x1xf32>
    %dot_general3A_43 = arith.constant dense<0.000000e+00> : vector<128x1xf32>
    %dot_general3A_44 = tpu.matmul %convert_element_type3A_40, %broadcast_in_dim3A_42, %dot_general3A_43 {dimension_numbers = #tpu.dot_dimension_numbers<[0], [0], [1], [1], [0, 1, 1, 1], [], []>, transpose_lhs_hint = false} : vector<2000x128xf32>, vector<2000x1xf32>, vector<128x1xf32> -> vector<128x1xf32>
    %eq3A_45 = arith.constant 0 : i32
    %eq3A_46 = arith.cmpi eq, %arg0, %eq3A_45 : i32
    %convert_element_type3A_47 = arith.extui %eq3A_46 : i1 to i32
    %cond3A = arith.constant 0 : i32
    %cond3A_48 = arith.cmpi ne, %convert_element_type3A_47, %cond3A : i32
    scf.if %cond3A_48 {
      %swap3A = arith.constant 0 : index
      %swap3A_58 = arith.constant 0 : index
      %swap3A_59 = vector.load %arg8[%swap3A, %swap3A_58] : memref<128x128xf32, #tpu.memory_space<vmem>>, vector<128x128xf32>
      tpu.vector_store %arg8[%swap3A, %swap3A_58], %dot_general3A_41 {strides = array<i32>} : memref<128x128xf32, #tpu.memory_space<vmem>>, vector<128x128xf32>,
      %swap3A_60 = arith.constant 0 : index
      %swap3A_61 = arith.constant 0 : index
      %swap3A_62 = vector.load %arg9[%swap3A_60, %swap3A_61] : memref<128x1xf32, #tpu.memory_space<vmem>>, vector<128x1xf32>
      tpu.vector_store %arg9[%swap3A_60, %swap3A_61], %dot_general3A_44 {strides = array<i32>} : memref<128x1xf32, #tpu.memory_space<vmem>>, vector<128x1xf32>,
    } else {
    }
    %gt3A = arith.constant 0 : i32
    %gt3A_49 = arith.cmpi sgt, %arg0, %gt3A : i32
    %convert_element_type3A_50 = arith.extui %gt3A_49 : i1 to i32
    %cond3A_51 = arith.constant 0 : i32
    %cond3A_52 = arith.cmpi ne, %convert_element_type3A_50, %cond3A_51 : i32
    scf.if %cond3A_52 {
      %get3A_58 = arith.constant 0 : index
      %get3A_59 = arith.constant 0 : index
      %get3A_60 = vector.load %arg8[%get3A_58, %get3A_59] : memref<128x128xf32, #tpu.memory_space<vmem>>, vector<128x128xf32>
      %add3A_61 = arith.addf %get3A_60, %dot_general3A_41 : vector<128x128xf32>
      %swap3A = arith.constant 0 : index
      %swap3A_62 = arith.constant 0 : index
      %swap3A_63 = vector.load %arg8[%swap3A, %swap3A_62] : memref<128x128xf32, #tpu.memory_space<vmem>>, vector<128x128xf32>
      tpu.vector_store %arg8[%swap3A, %swap3A_62], %add3A_61 {strides = array<i32>} : memref<128x128xf32, #tpu.memory_space<vmem>>, vector<128x128xf32>,
      %get3A_64 = arith.constant 0 : index
      %get3A_65 = arith.constant 0 : index
      %get3A_66 = vector.load %arg9[%get3A_64, %get3A_65] : memref<128x1xf32, #tpu.memory_space<vmem>>, vector<128x1xf32>
      %add3A_67 = arith.addf %get3A_66, %dot_general3A_44 : vector<128x1xf32>
      %swap3A_68 = arith.constant 0 : index
      %swap3A_69 = arith.constant 0 : index
      %swap3A_70 = vector.load %arg9[%swap3A_68, %swap3A_69] : memref<128x1xf32, #tpu.memory_space<vmem>>, vector<128x1xf32>
      tpu.vector_store %arg9[%swap3A_68, %swap3A_69], %add3A_67 {strides = array<i32>} : memref<128x1xf32, #tpu.memory_space<vmem>>, vector<128x1xf32>,
    } else {
    }
    %eq3A_53 = arith.constant 4 : i32
    %eq3A_54 = arith.cmpi eq, %arg0, %eq3A_53 : i32
    %convert_element_type3A_55 = arith.extui %eq3A_54 : i1 to i32
    %cond3A_56 = arith.constant 0 : i32
    %cond3A_57 = arith.cmpi ne, %convert_element_type3A_55, %cond3A_56 : i32
    scf.if %cond3A_57 {
      %get3A_58 = arith.constant 0 : index
      %get3A_59 = arith.constant 0 : index
      %get3A_60 = vector.load %arg8[%get3A_58, %get3A_59] : memref<128x128xf32, #tpu.memory_space<vmem>>, vector<128x128xf32>
      %get3A_61 = arith.constant 0 : index
      %get3A_62 = arith.constant 0 : index
      %get3A_63 = vector.load %arg9[%get3A_61, %get3A_62] : memref<128x1xf32, #tpu.memory_space<vmem>>, vector<128x1xf32>
      %max3A_64 = arith.constant 1.000000e+00 : f32
      %max3A_65 = vector.broadcast %max3A_64 : f32 to vector<128x1xf32>
      %max3A_66 = arith.maximumf %get3A_63, %max3A_65 : vector<128x1xf32>
      %div3A = vector.broadcast %max3A_66 : vector<128x1xf32> to vector<128x128xf32>
      %div3A_67 = arith.divf %get3A_60, %div3A : vector<128x128xf32>
      %swap3A = arith.constant 0 : index
      %swap3A_68 = arith.constant 0 : index
      %swap3A_69 = vector.load %arg8[%swap3A, %swap3A_68] : memref<128x128xf32, #tpu.memory_space<vmem>>, vector<128x128xf32>
      tpu.vector_store %arg8[%swap3A, %swap3A_68], %div3A_67 {strides = array<i32>} : memref<128x128xf32, #tpu.memory_space<vmem>>, vector<128x128xf32>,
    } else {
    }
    return
  }
  func.func @transform_0(%arg0: i32) -> (i32, i32, i32) {
    %c0_i32 = arith.constant 0 : i32
    %c0_i32_0 = arith.constant 0 : i32
    %c0_i32_1 = arith.constant 0 : i32
    return %c0_i32, %arg0, %c0_i32_0 : i32, i32, i32
  }
  func.func @transform_1(%arg0: i32) -> (i32, i32, i32) {
    %c1_i32 = arith.constant 1 : i32
    %c0_i32 = arith.constant 0 : i32
    %c0_i32_0 = arith.constant 0 : i32
    return %c1_i32, %arg0, %c0_i32 : i32, i32, i32
  }
  func.func @transform_2(%arg0: i32) -> (i32, i32) {
    %c0_i32 = arith.constant 0 : i32
    %c0_i32_0 = arith.constant 0 : i32
    return %arg0, %c0_i32 : i32, i32
  }
  func.func @transform_3(%arg0: i32) -> (i32, i32, i32) {
    %c0_i32 = arith.constant 0 : i32
    %c0_i32_0 = arith.constant 0 : i32
    %c0_i32_1 = arith.constant 0 : i32
    return %c0_i32, %arg0, %c0_i32_0 : i32, i32, i32
  }
  func.func @transform_4(%arg0: i32) -> (i32, i32, i32) {
    %c1_i32 = arith.constant 1 : i32
    %c0_i32 = arith.constant 0 : i32
    %c0_i32_0 = arith.constant 0 : i32
    return %c1_i32, %arg0, %c0_i32 : i32, i32, i32
  }
  func.func @transform_5(%arg0: i32) -> (i32, i32) {
    %c0_i32 = arith.constant 0 : i32
    %c0_i32_0 = arith.constant 0 : i32
    %c0_i32_1 = arith.constant 0 : i32
    return %c0_i32, %c0_i32_0 : i32, i32
  }
  func.func @transform_6(%arg0: i32) -> (i32, i32) {
    %c0_i32 = arith.constant 0 : i32
    %c0_i32_0 = arith.constant 0 : i32
    return %arg0, %c0_i32 : i32, i32
  }
  func.func @transform_7(%arg0: i32) -> (i32, i32) {
    %c0_i32 = arith.constant 0 : i32
    %c0_i32_0 = arith.constant 0 : i32
    %c0_i32_1 = arith.constant 0 : i32
    return %c0_i32, %c0_i32_0 : i32, i32
  }
}

</mosaic_0001>

<sc_bundles>
// kernel: kernel.11.cloned.1.call-start
scs
__scs_entry_jumppad:
0x0: {  	(pc) =	sbr.rel $0x88, $3  }
0x1: {  	(tag) =	ssettag $0x0;
	lr =	simm.s32 $0x1  }
0x2: {  	[smem:$0x3F9A] =	sst lr;
	_ =	strace $0xD0000000  }
0x3: {  	_ = 	snop  }
0x4: {  	_ = 	snop  }
0x5: {  	_ = 	snop  }
0x6: {  	_ = 	snop  }
0x7: {  	_ = 	snop  }
__scs_overlays_trampoline_lowered:
0x8: {  	[smem:$0x3FA9] =	sst s0  }
0x9: {  	[smem:$0x3FAA] =	sst s1  }
0xa: {  	[smem:$0x3FAB] =	sst s2  }
0xb: {  	[smem:$0x3FAC] =	sst s3  }
0xc: {  	[smem:$0x3FAD] =	sst s4  }
0xd: {  	[smem:$0x3FAE] =	sst s5  }
0xe: {  	[smem:$0x3FAF] =	sst s6  }
0xf: {  	[smem:$0x3FB0] =	sst s7  }
0x10: {  	[smem:$0x3FB1] =	sst s8  }
0x11: {  	[smem:$0x3FB2] =	sst s9;
	s0 =	simm.s32 @!p0 $0x0  }
0x12: {  	s1 =	sld [smem:$0x3F98];
	s0 =	simm.s32 @p0 $0x1  }
0x13: {  	[smem:$0x3FB3] =	sst s0;
	s0 =	simm.s32 @!p1 $0x0  }
0x14: {  	s2 =	sld [smem:$0x3F97];
	s0 =	simm.s32 @p1 $0x1  }
0x15: {  	[smem:$0x3FB4] =	sst s0;
	s0 =	simm.s32 @!p2 $0x0  }
0x16: {  	s3 =	sld [smem:$0x3FDB];
	s0 =	simm.s32 @p2 $0x1  }
0x17: {  	s4 =	simm.s32 $0x1BF5;
	[smem:$0x3FB6] =	sst s0  }
0x18: {  	s0 =	sld [smem:$0x3F99];
	_ =	swait.ge [sflag:s4], $0x0  }
0x19: {  	s7 =	sld [smem:$0x3F9A]  }
0x1a: {  	s8 =	sadd.s32 $0xFFFFE003, lr  }
0x1b: {  	s9 =	sadd.s32 $0xFFFFFEF7, lr;
	s5 =	simm.s32 $0xFFFFFFFF;
	p2 =	slt.u32 s8, $0xFFFFF086  }
0x1c: {  	p1 =	slt.u32 s9, $0xF7A;
	s5 =	simm.s32 @!p2 $0x0  }
0x1d: {  	s5 =	simm.s32 @p1 $0x1;
	p0 =	seq.s32 s7, s2  }
0x1e: {  	s7 =	smul.u32 @!p0 $0xF7A, s2;
	p2 =	seq.s32 @!p0 s5, $0x0  }
0x1f: {  	s9 =	smul.u32 $0xF7A, s1;
	s8 =	simm.s32 @!p0 $0x1BF5;
	p2 =	por !p2, p0  }
0x20: {  	[sflag:s8] =	ssyncset.s32 @!p0 $0xFFFFF086;
	s6 =	sadd.s32 @!p0 s3, s7;
	s7 =	simm.s32 @!p0 $0x108  }
0x21: {  	s3 =	sadd.s32 s3, s9;
	s6 =	sadd.s32 @!p0 $0x88, s6;
	s7 =	simm.s32 @p2 $0x1082  }
0x22: {  	[simem:s7], [sflag:s8] =	dma.local @!p0 [hbm:s6], $0xF7A  }
0x23: {  	s9 =	sor.u32 $0xD0000000, s2;
	s6 =	simm.s32 $0x108;
	_ =	swait.ge @!p0 [sflag:s8], $0x0  }
0x24: {  	s3 =	sadd.s32 $0x88, s3;
	s6 =	simm.s32 @!p1 $0x1082;
	[sflag:s4] =	ssyncset.s32 $0xFFFFF086  }
0x25: {  	[simem:s6], [sflag:s4] =	dma.local [hbm:s3], $0xF7A  }
0x26: {  	[smem:$0x3F9A] =	sst s1;
	(tag) =	ssettag s2;
	_ =	strace s9  }
0x27: {  	s1 =	sld [smem:$0x3FAA]  }
0x28: {  	s2 =	sld [smem:$0x3FAB]  }
0x29: {  	s4 =	sld [smem:$0x3FAD]  }
0x2a: {  	p0 =	seq.s32 s5, $0x0;
	s5 =	sld [smem:$0x3FAE]  }
0x2b: {  	s6 =	sld [smem:$0x3FAF]  }
0x2c: {  	s7 =	sld [smem:$0x3FB0]  }
0x2d: {  	s3 =	simm.s32 $0x108;
	s8 =	sld [smem:$0x3FB1]  }
0x2e: {  	s3 =	simm.s32 @!p0 $0x1082;
	s9 =	sld [smem:$0x3FB2]  }
0x2f: {  	lr =	sadd.s32 s0, s3;
	s0 =	sld [smem:$0x3FA9]  }
0x30: {  	s3 =	sld [smem:$0x3FAC]  }
0x31: {  	[smem:$0x3FB5] =	sst s10  }
0x32: {  	s10 =	sld [smem:$0x3FB3];
	_ =	sdelay $0x3  }
0x33: {  	p0 =	seq.s32 s10, $0x1;
	s10 =	sld [smem:$0x3FB5];
	_ =	sdelay $0x3  }
0x34: {  	[smem:$0x3FB5] =	sst s10  }
0x35: {  	s10 =	sld [smem:$0x3FB4];
	_ =	sdelay $0x3  }
0x36: {  	p1 =	seq.s32 s10, $0x1;
	s10 =	sld [smem:$0x3FB5];
	_ =	sdelay $0x3  }
0x37: {  	[smem:$0x3FB5] =	sst s10  }
0x38: {  	s10 =	sld [smem:$0x3FB6]  }
0x39: {  	_ = 	snop;
	(pc) =	sbr.ind lr, $3  }
0x3a: {  	_ = 	snop  }
0x3b: {  	_ = 	snop  }
0x3c: {  	p2 =	seq.s32 s10, $0x1;
	s10 =	sld [smem:$0x3FB5]  }
0x3d: {  	_ =	shalt  }
0x3e: {  	_ =	shalt  }
0x3f: {  	_ =	shalt  }
0x40: {  	_ =	shalt  }
0x41: {  	_ =	shalt  }
0x42: {  	_ =	shalt  }
0x43: {  	_ =	shalt  }
0x44: {  	_ =	shalt  }
0x45: {  	_ =	shalt  }
0x46: {  	_ =	shalt  }
0x47: {  	_ =	shalt  }
0x48: {  	_ =	shalt  }
0x49: {  	_ =	shalt  }
0x4a: {  	_ =	shalt  }
0x4b: {  	_ =	shalt  }
0x4c: {  	_ =	shalt  }
0x4d: {  	_ =	shalt  }
0x4e: {  	_ =	shalt  }
0x4f: {  	_ =	shalt  }
0x50: {  	_ =	shalt  }
0x51: {  	_ =	shalt  }
0x52: {  	_ =	shalt  }
0x53: {  	_ =	shalt  }
0x54: {  	_ =	shalt  }
0x55: {  	_ =	shalt  }
0x56: {  	_ =	shalt  }
0x57: {  	_ =	shalt  }
0x58: {  	_ =	shalt  }
0x59: {  	_ =	shalt  }
0x5a: {  	_ =	shalt  }
0x5b: {  	_ =	shalt  }
0x5c: {  	_ =	shalt  }
0x5d: {  	_ =	shalt  }
0x5e: {  	_ =	shalt  }
0x5f: {  	_ =	shalt  }
0x60: {  	_ =	shalt  }
0x61: {  	_ =	shalt  }
0x62: {  	_ =	shalt  }
0x63: {  	_ =	shalt  }
0x64: {  	_ =	shalt  }
0x65: {  	_ =	shalt  }
0x66: {  	_ =	shalt  }
0x67: {  	_ =	shalt  }
0x68: {  	_ =	shalt  }
0x69: {  	_ =	shalt  }
0x6a: {  	_ =	shalt  }
0x6b: {  	_ =	shalt  }
0x6c: {  	_ =	shalt  }
0x6d: {  	_ =	shalt  }
0x6e: {  	_ =	shalt  }
0x6f: {  	_ =	shalt  }
0x70: {  	_ =	shalt  }
0x71: {  	_ =	shalt  }
0x72: {  	_ =	shalt  }
0x73: {  	_ =	shalt  }
0x74: {  	_ =	shalt  }
0x75: {  	_ =	shalt  }
0x76: {  	_ =	shalt  }
0x77: {  	_ =	shalt  }
0x78: {  	_ =	shalt  }
0x79: {  	_ =	shalt  }
0x7a: {  	_ =	shalt  }
0x7b: {  	_ =	shalt  }
0x7c: {  	_ =	shalt  }
0x7d: {  	_ =	shalt  }
0x7e: {  	_ =	shalt  }
0x7f: {  	_ =	shalt  }
0x80: {  	_ =	shalt  }
0x81: {  	_ =	shalt  }
0x82: {  	_ =	shalt  }
0x83: {  	_ =	shalt  }
0x84: {  	_ =	shalt  }
0x85: {  	_ =	shalt  }
0x86: {  	_ =	shalt  }
0x87: {  	_ =	shalt  }
.Lfunc_end0:
.L_simem_size_0:
called_computation.1_lowered:
.L_overlay_start_0:
0x88: {  	s2 =	sld [smem:$0x3FD9]  }
0x89: {  	s3 =	sld [smem:$0x3FFE];
	_ =	sdelay $0x1  }
0x8a: {  	s1 =	srdreg.scid  }
0x8b: {  	s0 =	sand.u32 $0x1, s1  }
0x8c: {  	s16 =	sshll.u32 s0, $0xA;
	s2 =	sadd.s32 s3, s2  }
0x8d: {  	s2 =	sadd.s32 s2, s16  }
0x8e: {  	[smem:$0x3FC1] =	sst s2  }
0x8f: {  	_ = 	snop  }
0x90: {  	(tm) =	ssettm $0x1  }
0x91: {  	s17 =	sld [smem:$0x3FFB];
	_ =	sdelay $0x3  }
0x92: {  	_ =	strace s17  }
0x93: {  	s2 =	sld [smem:$0x3FFC];
	_ =	sdelay $0x3  }
0x94: {  	_ =	strace s2  }
0x95: {  	s2 =	sld [smem:$0x3FFD];
	_ =	sdelay $0x3  }
0x96: {  	_ =	strace s2  }
0x97: {  	_ =	strace $0x8FFFFFFF  }
0x98: {  	s18 =	sld [smem:$0x3FDB];
	_ =	sdelay $0x1  }
0x99: {  	s19 =	simm.s32 $_scs_section_size  }
0x9a: {  	s4 =	simm.s32 $_size__tile_overlayer_lowered;
	s5 =	simm.s32 $_tile_overlayer_lowered  }
0x9b: {  	s22 =	simm.s32 $0x1BFF;
	s21 =	sshll.u32 s5, $0x1;
	s2 =	sadd.s32 s19, s18  }
0x9c: {  	s6 =	simm.s32 $0x0;
	s20 =	sshll.u32 s4, $0x1;
	s4 =	sadd.s32 s21, s2  }
0x9d: {  	[timem:s6], [sflag:s22] =	dma.local [hbm:s4], s20  }
0x9e: {  	_ =	swait.ge [sflag:s22], s20  }
0x9f: {  	s3 =	ssub.s32 $0x0, s20;
	[sflag:s22] =	ssyncset.done $0x0  }
0xa0: {  	[sflag:s22] =	ssyncadd.s32 s3;
	_ =	sdelay $0x1  }
0xa1: {  	s23 =	simm.s32 $0x1B8B  }
0xa2: {  	_ =	swait.ge [sflag:s23], $0x1  }
0xa3: {  	[sflag:s23] =	ssyncset.done $0x0  }
0xa4: {  	s25 =	simm.s32 $0x1B8E;
	s24 =	sld [smem:$0x3FFE];
	[sflag:s23] =	ssyncadd.s32 $0xFFFFFFFF  }
0xa5: {  	s26 =	simm.s32 $execute0_lowered;
	[smem:$0x3FD2] =	sst s25  }
0xa6: {  	s4 =	sshll.u32 s26, $0x1;
	_ =	strace $0x80000049;
	[dreg:$0x1] =	wrdreg $0xFFFFFFFF  }
0xa7: {  	s28 =	simm.s32 $_size_execute0_lowered;
	s2 =	sadd.s32 s2, s4;
	[dreg:$0x0] =	wrdreg $0x0  }
0xa8: {  	s4 =	sshll.u32 s28, $0x1;
	[dreg:$0x2] =	wrdreg s2  }
0xa9: {  	[dreg:$0x3] =	wrdreg s4  }
0xaa: {  	[dreg:$0x4] =	wrdreg $0xC0  }
0xab: {  	_ =	task [dreg:s6], $0x5FFFF  }
0xac: {  	[dreg:$0x1] =	wrdreg $0xFFFFFFFF  }
0xad: {  	[dreg:$0x0] =	wrdreg $0x60  }
0xae: {  	[dreg:$0x2] =	wrdreg s24  }
0xaf: {  	[dreg:$0x3] =	wrdreg $0x41000  }
0xb0: {  	[dreg:$0x4] =	wrdreg $0x9  }
0xb1: {  	_ =	task.clear_ibuf [dreg:s6], $0x5FFFF;
	_ =	strace $0x90000049  }
0xb2: {  	s29 =	simm.s32 $0x9;
	_ =	strace $0x8000004B  }
0xb3: {  	_ =	swait.ge [sflag:s29], $0x1  }
0xb4: {  	[sflag:s29] =	ssyncadd.s32 $0xFFFFFFFF  }
0xb5: {  	_ =	strace $0x9000004B  }
0xb6: {  	_ =	sfence  }
0xb7: {  	s30 =	sld [smem:$0x0];
	_ =	sdelay $0x2  }
0xb8: {  	s31 =	sshll.u32 s1, $0xD;
	s1 =	sshrl.u32 s1, $0x2  }
0xb9: {  	s3 =	sand.u32 $0x4000, s31;
	s1 =	sadd.s32 s1, s30  }
0xba: {  	s0 =	sor.u32 s3, s0;
	s1 =	sshll.u32 s1, $0x11  }
0xbb: {  	s0 =	sor.u32 s1, s0  }
0xbc: {  	s0 =	sadd.s32 $0x8F2B, s0  }
0xbd: {  	[sflag:s0] =	ssyncadd.remote.s32 $0x1  }
0xbe: {  	_ =	sfence.sel $0xFFFF  }
0xbf: {  	[dreg:$0x0] =	wrdreg $0xFFFFFFFF;
	(pc) =	sbr.abs _section_cstart, $3  }
0xc0: {  	[dreg:$0x1] =	wrdreg $0xFFFFFFFF  }
0xc1: {  	_ =	task.clear_ibuf [dreg:s6], $0x2FFFF;
	_ =	strace $0x9FFFFFFF  }
0xc2: {  	(tm) =	ssettm $0x7FFFFFFF  }
0xc3: {  	_ =	shalt  }
tec
execute0_lowered:
.L_overlay_start_1:
0x0: {  	(tag) =	ssettag $0x1  }
0x1: {  	s7 =	rddreg [dreg:$0x0]  }
0x2: {  	s2 =	rddreg [dreg:$0x1]  }
0x3: {  	s0 =	rddreg [dreg:$0x2]  }
0x4: {  	s3 =	simm.s32 $0x0;
	s1 =	stileid.u32;
	s4 =	srdreg.scid  }
0x5: {  	s15 =	simm.s32 $0x100;
	s16 =	simm.s32 $0x1;
	s17 =	simm.s32 $0x0  }
0x6: {  	[smem:$0x7FF] =	sst s3;
	s8 =	smul.u32 $0x13C00, s1;
	s9 =	sand.u32 $0x1, s4  }
0x7: {  	s4 =	sadd.s32 $0x8D400, s7;
	s5 =	sadd.s32 $0x2400, s7;
	s6 =	sadd.s32 $0xC400, s7  }
0x8: {  	s13 =	smul.u32 $0x4F000, s1;
	s31 =	sshll.u32 s1, $0x6;
	_ =	strace $0x8000004A  }
0x9: {  	s10 =	smul.u32 $0x13C000, s9;
	s28 =	ssub.s32 $0x2, s9;
	s29 =	sshll.u32 s9, $0x4  }
0xa: {  	s11 =	sshrl.u32 s8, $0x3;
	s12 =	sshrl.u32 s28, $0x1;
	s9 =	sor.u32 s1, s29  }
0xb: {  	s30 =	sshrl.u32 s13, $0x2;
	s11 =	sadd.s32 s11, s7;
	s8 =	sadd.s32 s8, s10  }
0xc: {  	s12 =	ssub.s32 s28, s12;
	s13 =	sadd.s32 s30, s2;
	s8 =	sshrl.u32 s8, $0x3  }
0xd: {  	s9 =	smul.u32 $0x2800, s9;
	s14 =	sadd.s32 s8, s7;
	s7 =	sadd.s32 $0x16400, s11  }
0xe: {  	s8 =	sor.u32 $0x1C02, s31;
	s11 =	smax.u32 s12, $0x1;
	s12 =	sshrl.u32 s13, $0x3  }
0xf: {  	s13 =	simm.s32 $0x2;
	s10 =	sadd.s32 $0xB4600, s14;
	s14 =	simm.s32 $0x80  }
.LBB2_1:
0x10: {  	[spmem:s12], [sflag:s8] =	dma.local [hbm:s7], $0x2780  }
0x11: {  	s18 =	sand.u32 $0x3C00, s3  }
0x12: {  	s19 =	sand.u32 $0x380, s3;
	_ =	swait.ge [sflag:s13], $0x2780;
	s18 =	sadd.s32 s9, s18  }
0x13: {  	[sflag:s13] =	ssyncset.done $0x0;
	s18 =	sor.u32 s19, s18  }
0x14: {  	[sflag:s13] =	ssyncadd.s32 $0xFFFFD880;
	s18 =	sshrl.u32 s18, $0x3  }
0x15: {  	[bflag:$0x0] =	sbarrier.arrive $0xFFFF;
	s29 =	sadd.s32 s6, s18  }
0x16: {  	[tilespmem:s14], [sflag:$0x2] =	stream.linear.gather [hbm4b:s29+s3], $0x80, $0x38;
	[tilespmem:$0x17D00] =	vst v63  }
0x17: {  	_ =	swait.ge [sflag:s13], $0x80  }
0x18: {  	[sflag:s13] =	ssyncset.done $0x0  }
0x19: {  	s18 =	sadd.s32 s5, s18;
	[sflag:s13] =	ssyncadd.s32 $0xFFFFFF80  }
0x1a: {  	[tilespmem:s3], [sflag:$0x2] =	stream.linear.gather [hbm4b:s18+s3], $0x80, $0x38;
	[tilespmem:$0x17D00] =	vst v63  }
0x1b: {  	_ =	swait.ge [sflag:s13], $0x80  }
0x1c: {  	[sflag:s13] =	ssyncset.done $0x0  }
0x1d: {  	[sflag:s13] =	ssyncadd.s32 $0xFFFFFF80  }
0x1e: {  	[tilespmem:s15], [sflag:$0x1] =	stream.indirect.gather [hbm4b:s4+s14], $0x80, s3, s14, $0xb8;
	[tilespmem:$0x17D00] =	vst v63  }
0x1f: {  	_ =	swait.ge [sflag:s16], $0x4000  }
0x20: {  	s30 =	simm.s32 $0x80;
	[sflag:s16] =	ssyncset.done $0x0  }
0x21: {  	s31 =	sand.u32 $0x3C00, s30;
	[sflag:s16] =	ssyncadd.s32 $0xFFFFC000  }
0x22: {  	[spmem:s2] =	stream.indirect.scatter.add.f32 [tilespmem:s15], [sflag:$0x2], $0x80, s14, s14, $0xb8;
	[tilespmem:$0x17D00] =	vst v63  }
0x23: {  	s20 =	sand.u32 $0x380, s30;
	s19 =	sadd.s32 s9, s31;
	_ =	swait.ge [sflag:s13], $0x4000  }
0x24: {  	s19 =	sor.u32 s20, s19;
	s18 =	simm.s32 $0x100;
	[sflag:s13] =	ssyncset.done $0x0  }
.LBB2_2:
0x25: {  	s19 =	sshrl.u32 s19, $0x3  }
0x26: {  	[sflag:s13] =	ssyncadd.s32 $0xFFFFC000;
	s20 =	smov.u32 s18;
	s21 =	sadd.s32 $0x80, s18  }
0x27: {  	p0 =	sne.s32 s18, $0x2700;
	s18 =	sadd.s32 s6, s19  }
0x28: {  	[tilespmem:s14], [sflag:$0x2] =	stream.linear.gather [hbm4b:s18+s3], $0x80, $0x38;
	[tilespmem:$0x17D00] =	vst v63  }
0x29: {  	_ =	swait.ge [sflag:s13], $0x80  }
0x2a: {  	[sflag:s13] =	ssyncset.done $0x0  }
0x2b: {  	s18 =	sadd.s32 s5, s19;
	[sflag:s13] =	ssyncadd.s32 $0xFFFFFF80  }
0x2c: {  	[tilespmem:s3], [sflag:$0x2] =	stream.linear.gather [hbm4b:s18+s3], $0x80, $0x38;
	[tilespmem:$0x17D00] =	vst v63  }
0x2d: {  	_ =	swait.ge [sflag:s13], $0x80  }
0x2e: {  	[sflag:s13] =	ssyncset.done $0x0  }
0x2f: {  	[sflag:s13] =	ssyncadd.s32 $0xFFFFFF80  }
0x30: {  	[tilespmem:s15], [sflag:$0x1] =	stream.indirect.gather [hbm4b:s4+s14], $0x80, s3, s14, $0xb8;
	[tilespmem:$0x17D00] =	vst v63  }
0x31: {  	_ =	swait.ge [sflag:s16], $0x4000  }
.Ltmp0:
0x32: {  	[sflag:s16] =	ssyncset.done $0x0;
	(pc) =	sbr.rel @p0 .LBB2_2-.Ltmp0, $4  }
0x33: {  	s18 =	sand.u32 $0x3C00, s20;
	[sflag:s16] =	ssyncadd.s32 $0xFFFFC000  }
0x34: {  	[spmem:s2] =	stream.indirect.scatter.add.f32 [tilespmem:s15], [sflag:$0x2], $0x80, s14, s14, $0xb8;
	[tilespmem:$0x17D00] =	vst v63  }
0x35: {  	s19 =	sand.u32 $0x380, s20;
	s18 =	sadd.s32 s9, s18;
	_ =	swait.ge [sflag:s13], $0x4000  }
0x36: {  	s19 =	sor.u32 s19, s18;
	s18 =	smov.u32 s21;
	[sflag:s13] =	ssyncset.done $0x0  }
0x37: {  	s18 =	sshrl.u32 s19, $0x3  }
0x38: {  	[sflag:s13] =	ssyncadd.s32 $0xFFFFC000;
	s19 =	sadd.s32 s6, s18  }
0x39: {  	[tilespmem:s14], [sflag:$0x2] =	stream.linear.gather [hbm4b:s19+s3], $0x80, $0x38;
	[tilespmem:$0x17D00] =	vst v63  }
0x3a: {  	_ =	swait.ge [sflag:s13], $0x80  }
0x3b: {  	[sflag:s13] =	ssyncset.done $0x0  }
0x3c: {  	s18 =	sadd.s32 s5, s18;
	[sflag:s13] =	ssyncadd.s32 $0xFFFFFF80  }
0x3d: {  	[tilespmem:s3], [sflag:$0x2] =	stream.linear.gather [hbm4b:s18+s3], $0x80, $0x38;
	[tilespmem:$0x17D00] =	vst v63  }
0x3e: {  	_ =	swait.ge [sflag:s13], $0x80  }
0x3f: {  	[sflag:s13] =	ssyncset.done $0x0  }
0x40: {  	[sflag:s13] =	ssyncadd.s32 $0xFFFFFF80  }
0x41: {  	[tilespmem:s15], [sflag:$0x1] =	stream.indirect.gather [hbm4b:s4+s14], $0x80, s3, s14, $0xb8;
	[tilespmem:$0x17D00] =	vst v63  }
0x42: {  	_ =	swait.ge [sflag:s16], $0x4000  }
0x43: {  	[sflag:s16] =	ssyncset.done $0x0  }
0x44: {  	[sflag:s16] =	ssyncadd.s32 $0xFFFFC000  }
0x45: {  	[spmem:s2] =	stream.indirect.scatter.add.f32 [tilespmem:s15], [sflag:$0x2], $0x80, s14, s14, $0xb8;
	[tilespmem:$0x17D00] =	vst v63  }
0x46: {  	_ =	swait.ge [sflag:s13], $0x4000  }
0x47: {  	s17 =	sadd.s32 $0x1, s17;
	[sflag:s13] =	ssyncset.done $0x0  }
0x48: {  	p0 =	sne.s32 s17, s11;
	[sflag:s13] =	ssyncadd.s32 $0xFFFFC000  }
.Ltmp1:
0x49: {  	[bflag:$0x0] =	sbarrier.arrive $0xFFFF;
	(pc) =	sbr.rel @p0 .LBB2_1-.Ltmp1, $4  }
0x4a: {  	[hbm:s10], [sflag:s8] =	dma.local [spmem:s12], $0x2780  }
0x4b: {  	_ =	swait.ge [sflag:s13], $0x2780  }
0x4c: {  	[sflag:s13] =	ssyncset.done $0x0  }
0x4d: {  	[sflag:s13] =	ssyncadd.s32 $0xFFFFD880  }
0x4e: {  	_ =	sfence.sel $0x180000  }
0x4f: {  	[bflag:$0x0] =	sbarrier.arrive $0xFFFF  }
0x50: {  	p0 =	sne.s32 s1, $0x0;
	_ =	strace $0x9000004A  }
0x51: {  	s0 =	sadd.s32 @!p0 $0x100000, s0;
	[bflag:$0x2] =	sbarrier.arrive $0xFFFF  }
0x52: {  	[sflag:s0] =	ssyncadd.tile.s32 @!p0 $0x1;
	_ =	shalt  }
.Lfunc_end2:
_tile_overlayer_lowered:
.L_overlay_start_2:
0x53: {  	(tag) =	ssettag $0x2  }
0x54: {  	s0 =	rddreg [dreg:$0x0];
	s2 =	stileid.u32  }
0x55: {  	s1 =	rddreg [dreg:$0x1];
	p0 =	sne.s32 s2, $0x0  }
0x56: {  	s3 =	rddreg [dreg:$0x2];
	[bflag:$0x3] =	sbarrier.arrive $0xFFFF;
	s2 =	simm.s32 @!p0 $0x1C02  }
0x57: {  	[timem:s3], [sflag:s2] =	dma.local @!p0 [hbm:s0], s1  }
0x58: {  	s0 =	simm.s32 @!p0 $0x2  }
0x59: {  	_ =	swait.ge @!p0 [sflag:s0], s1  }
0x5a: {  	s1 =	ssub.s32 @!p0 $0x0, s1;
	[sflag:s0] =	ssyncset.done @!p0 $0x0  }
0x5b: {  	[sflag:s0] =	ssyncadd.s32 @!p0 s1  }
0x5c: {  	[bflag:$0x3] =	sbarrier.arrive $0xFFFF  }
0x5d: {  	_ =	shalt  }

// kernel: kernel.14.cloned.1.call-start
scs
__scs_entry_jumppad:
0x0: {  	(pc) =	sbr.rel $0x88, $3  }
0x1: {  	(tag) =	ssettag $0x0;
	lr =	simm.s32 $0x1  }
0x2: {  	[smem:$0x3F9A] =	sst lr;
	_ =	strace $0xD0000000  }
0x3: {  	_ = 	snop  }
0x4: {  	_ = 	snop  }
0x5: {  	_ = 	snop  }
0x6: {  	_ = 	snop  }
0x7: {  	_ = 	snop  }
__scs_overlays_trampoline_lowered:
0x8: {  	[smem:$0x3FA9] =	sst s0  }
0x9: {  	[smem:$0x3FAA] =	sst s1  }
0xa: {  	[smem:$0x3FAB] =	sst s2  }
0xb: {  	[smem:$0x3FAC] =	sst s3  }
0xc: {  	[smem:$0x3FAD] =	sst s4  }
0xd: {  	[smem:$0x3FAE] =	sst s5  }
0xe: {  	[smem:$0x3FAF] =	sst s6  }
0xf: {  	[smem:$0x3FB0] =	sst s7  }
0x10: {  	[smem:$0x3FB1] =	sst s8  }
0x11: {  	[smem:$0x3FB2] =	sst s9;
	s0 =	simm.s32 @!p0 $0x0  }
0x12: {  	s1 =	sld [smem:$0x3F98];
	s0 =	simm.s32 @p0 $0x1  }
0x13: {  	[smem:$0x3FB3] =	sst s0;
	s0 =	simm.s32 @!p1 $0x0  }
0x14: {  	s2 =	sld [smem:$0x3F97];
	s0 =	simm.s32 @p1 $0x1  }
0x15: {  	[smem:$0x3FB4] =	sst s0;
	s0 =	simm.s32 @!p2 $0x0  }
0x16: {  	s3 =	sld [smem:$0x3FDB];
	s0 =	simm.s32 @p2 $0x1  }
0x17: {  	s4 =	simm.s32 $0x1BF5;
	[smem:$0x3FB6] =	sst s0  }
0x18: {  	s0 =	sld [smem:$0x3F99];
	_ =	swait.ge [sflag:s4], $0x0  }
0x19: {  	s7 =	sld [smem:$0x3F9A]  }
0x1a: {  	s8 =	sadd.s32 $0xFFFFE003, lr  }
0x1b: {  	s9 =	sadd.s32 $0xFFFFFEF7, lr;
	s5 =	simm.s32 $0xFFFFFFFF;
	p2 =	slt.u32 s8, $0xFFFFF086  }
0x1c: {  	p1 =	slt.u32 s9, $0xF7A;
	s5 =	simm.s32 @!p2 $0x0  }
0x1d: {  	s5 =	simm.s32 @p1 $0x1;
	p0 =	seq.s32 s7, s2  }
0x1e: {  	s7 =	smul.u32 @!p0 $0xF7A, s2;
	p2 =	seq.s32 @!p0 s5, $0x0  }
0x1f: {  	s9 =	smul.u32 $0xF7A, s1;
	s8 =	simm.s32 @!p0 $0x1BF5;
	p2 =	por !p2, p0  }
0x20: {  	[sflag:s8] =	ssyncset.s32 @!p0 $0xFFFFF086;
	s6 =	sadd.s32 @!p0 s3, s7;
	s7 =	simm.s32 @!p0 $0x108  }
0x21: {  	s3 =	sadd.s32 s3, s9;
	s6 =	sadd.s32 @!p0 $0x88, s6;
	s7 =	simm.s32 @p2 $0x1082  }
0x22: {  	[simem:s7], [sflag:s8] =	dma.local @!p0 [hbm:s6], $0xF7A  }
0x23: {  	s9 =	sor.u32 $0xD0000000, s2;
	s6 =	simm.s32 $0x108;
	_ =	swait.ge @!p0 [sflag:s8], $0x0  }
0x24: {  	s3 =	sadd.s32 $0x88, s3;
	s6 =	simm.s32 @!p1 $0x1082;
	[sflag:s4] =	ssyncset.s32 $0xFFFFF086  }
0x25: {  	[simem:s6], [sflag:s4] =	dma.local [hbm:s3], $0xF7A  }
0x26: {  	[smem:$0x3F9A] =	sst s1;
	(tag) =	ssettag s2;
	_ =	strace s9  }
0x27: {  	s1 =	sld [smem:$0x3FAA]  }
0x28: {  	s2 =	sld [smem:$0x3FAB]  }
0x29: {  	s4 =	sld [smem:$0x3FAD]  }
0x2a: {  	p0 =	seq.s32 s5, $0x0;
	s5 =	sld [smem:$0x3FAE]  }
0x2b: {  	s6 =	sld [smem:$0x3FAF]  }
0x2c: {  	s7 =	sld [smem:$0x3FB0]  }
0x2d: {  	s3 =	simm.s32 $0x108;
	s8 =	sld [smem:$0x3FB1]  }
0x2e: {  	s3 =	simm.s32 @!p0 $0x1082;
	s9 =	sld [smem:$0x3FB2]  }
0x2f: {  	lr =	sadd.s32 s0, s3;
	s0 =	sld [smem:$0x3FA9]  }
0x30: {  	s3 =	sld [smem:$0x3FAC]  }
0x31: {  	[smem:$0x3FB5] =	sst s10  }
0x32: {  	s10 =	sld [smem:$0x3FB3];
	_ =	sdelay $0x3  }
0x33: {  	p0 =	seq.s32 s10, $0x1;
	s10 =	sld [smem:$0x3FB5];
	_ =	sdelay $0x3  }
0x34: {  	[smem:$0x3FB5] =	sst s10  }
0x35: {  	s10 =	sld [smem:$0x3FB4];
	_ =	sdelay $0x3  }
0x36: {  	p1 =	seq.s32 s10, $0x1;
	s10 =	sld [smem:$0x3FB5];
	_ =	sdelay $0x3  }
0x37: {  	[smem:$0x3FB5] =	sst s10  }
0x38: {  	s10 =	sld [smem:$0x3FB6]  }
0x39: {  	_ = 	snop;
	(pc) =	sbr.ind lr, $3  }
0x3a: {  	_ = 	snop  }
0x3b: {  	_ = 	snop  }
0x3c: {  	p2 =	seq.s32 s10, $0x1;
	s10 =	sld [smem:$0x3FB5]  }
0x3d: {  	_ =	shalt  }
0x3e: {  	_ =	shalt  }
0x3f: {  	_ =	shalt  }
0x40: {  	_ =	shalt  }
0x41: {  	_ =	shalt  }
0x42: {  	_ =	shalt  }
0x43: {  	_ =	shalt  }
0x44: {  	_ =	shalt  }
0x45: {  	_ =	shalt  }
0x46: {  	_ =	shalt  }
0x47: {  	_ =	shalt  }
0x48: {  	_ =	shalt  }
0x49: {  	_ =	shalt  }
0x4a: {  	_ =	shalt  }
0x4b: {  	_ =	shalt  }
0x4c: {  	_ =	shalt  }
0x4d: {  	_ =	shalt  }
0x4e: {  	_ =	shalt  }
0x4f: {  	_ =	shalt  }
0x50: {  	_ =	shalt  }
0x51: {  	_ =	shalt  }
0x52: {  	_ =	shalt  }
0x53: {  	_ =	shalt  }
0x54: {  	_ =	shalt  }
0x55: {  	_ =	shalt  }
0x56: {  	_ =	shalt  }
0x57: {  	_ =	shalt  }
0x58: {  	_ =	shalt  }
0x59: {  	_ =	shalt  }
0x5a: {  	_ =	shalt  }
0x5b: {  	_ =	shalt  }
0x5c: {  	_ =	shalt  }
0x5d: {  	_ =	shalt  }
0x5e: {  	_ =	shalt  }
0x5f: {  	_ =	shalt  }
0x60: {  	_ =	shalt  }
0x61: {  	_ =	shalt  }
0x62: {  	_ =	shalt  }
0x63: {  	_ =	shalt  }
0x64: {  	_ =	shalt  }
0x65: {  	_ =	shalt  }
0x66: {  	_ =	shalt  }
0x67: {  	_ =	shalt  }
0x68: {  	_ =	shalt  }
0x69: {  	_ =	shalt  }
0x6a: {  	_ =	shalt  }
0x6b: {  	_ =	shalt  }
0x6c: {  	_ =	shalt  }
0x6d: {  	_ =	shalt  }
0x6e: {  	_ =	shalt  }
0x6f: {  	_ =	shalt  }
0x70: {  	_ =	shalt  }
0x71: {  	_ =	shalt  }
0x72: {  	_ =	shalt  }
0x73: {  	_ =	shalt  }
0x74: {  	_ =	shalt  }
0x75: {  	_ =	shalt  }
0x76: {  	_ =	shalt  }
0x77: {  	_ =	shalt  }
0x78: {  	_ =	shalt  }
0x79: {  	_ =	shalt  }
0x7a: {  	_ =	shalt  }
0x7b: {  	_ =	shalt  }
0x7c: {  	_ =	shalt  }
0x7d: {  	_ =	shalt  }
0x7e: {  	_ =	shalt  }
0x7f: {  	_ =	shalt  }
0x80: {  	_ =	shalt  }
0x81: {  	_ =	shalt  }
0x82: {  	_ =	shalt  }
0x83: {  	_ =	shalt  }
0x84: {  	_ =	shalt  }
0x85: {  	_ =	shalt  }
0x86: {  	_ =	shalt  }
0x87: {  	_ =	shalt  }
.Lfunc_end0:
.L_simem_size_0:
called_computation.2_lowered:
.L_overlay_start_0:
0x88: {  	s2 =	sld [smem:$0x3FD9]  }
0x89: {  	s3 =	sld [smem:$0x3FFE];
	_ =	sdelay $0x1  }
0x8a: {  	s1 =	srdreg.scid  }
0x8b: {  	s0 =	sand.u32 $0x1, s1  }
0x8c: {  	s16 =	sshll.u32 s0, $0xA;
	s2 =	sadd.s32 s3, s2  }
0x8d: {  	s2 =	sadd.s32 s2, s16  }
0x8e: {  	[smem:$0x3FC1] =	sst s2  }
0x8f: {  	_ = 	snop  }
0x90: {  	(tm) =	ssettm $0x1  }
0x91: {  	s17 =	sld [smem:$0x3FFB];
	_ =	sdelay $0x3  }
0x92: {  	_ =	strace s17  }
0x93: {  	s2 =	sld [smem:$0x3FFC];
	_ =	sdelay $0x3  }
0x94: {  	_ =	strace s2  }
0x95: {  	s2 =	sld [smem:$0x3FFD];
	_ =	sdelay $0x3  }
0x96: {  	_ =	strace s2  }
0x97: {  	_ =	strace $0x8FFFFFFF  }
0x98: {  	s18 =	sld [smem:$0x3FDB];
	_ =	sdelay $0x1  }
0x99: {  	s19 =	simm.s32 $_scs_section_size  }
0x9a: {  	s4 =	simm.s32 $_size__tile_overlayer_lowered;
	s5 =	simm.s32 $_tile_overlayer_lowered  }
0x9b: {  	s22 =	simm.s32 $0x1BFF;
	s21 =	sshll.u32 s5, $0x1;
	s2 =	sadd.s32 s19, s18  }
0x9c: {  	s6 =	simm.s32 $0x0;
	s20 =	sshll.u32 s4, $0x1;
	s4 =	sadd.s32 s21, s2  }
0x9d: {  	[timem:s6], [sflag:s22] =	dma.local [hbm:s4], s20  }
0x9e: {  	_ =	swait.ge [sflag:s22], s20  }
0x9f: {  	s3 =	ssub.s32 $0x0, s20;
	[sflag:s22] =	ssyncset.done $0x0  }
0xa0: {  	[sflag:s22] =	ssyncadd.s32 s3;
	_ =	sdelay $0x1  }
0xa1: {  	s23 =	simm.s32 $0x1B8B  }
0xa2: {  	_ =	swait.ge [sflag:s23], $0x1  }
0xa3: {  	[sflag:s23] =	ssyncset.done $0x0  }
0xa4: {  	s25 =	simm.s32 $0x1B8E;
	s24 =	sld [smem:$0x3FFE];
	[sflag:s23] =	ssyncadd.s32 $0xFFFFFFFF  }
0xa5: {  	s26 =	simm.s32 $execute0_lowered;
	[smem:$0x3FD2] =	sst s25  }
0xa6: {  	s4 =	sshll.u32 s26, $0x1;
	_ =	strace $0x8000004C;
	[dreg:$0x1] =	wrdreg $0xFFFFFFFF  }
0xa7: {  	s28 =	simm.s32 $_size_execute0_lowered;
	s2 =	sadd.s32 s2, s4;
	[dreg:$0x0] =	wrdreg $0x0  }
0xa8: {  	s4 =	sshll.u32 s28, $0x1;
	[dreg:$0x2] =	wrdreg s2  }
0xa9: {  	[dreg:$0x3] =	wrdreg s4  }
0xaa: {  	[dreg:$0x4] =	wrdreg $0xC0  }
0xab: {  	_ =	task [dreg:s6], $0x5FFFF  }
0xac: {  	[dreg:$0x1] =	wrdreg $0xFFFFFFFF  }
0xad: {  	[dreg:$0x0] =	wrdreg $0x60  }
0xae: {  	[dreg:$0x2] =	wrdreg s24  }
0xaf: {  	[dreg:$0x3] =	wrdreg $0x41000  }
0xb0: {  	[dreg:$0x4] =	wrdreg $0x9  }
0xb1: {  	_ =	task.clear_ibuf [dreg:s6], $0x5FFFF;
	_ =	strace $0x9000004C  }
0xb2: {  	s29 =	simm.s32 $0x9;
	_ =	strace $0x8000004E  }
0xb3: {  	_ =	swait.ge [sflag:s29], $0x1  }
0xb4: {  	[sflag:s29] =	ssyncadd.s32 $0xFFFFFFFF  }
0xb5: {  	_ =	strace $0x9000004E  }
0xb6: {  	_ =	sfence  }
0xb7: {  	s30 =	sld [smem:$0x0];
	_ =	sdelay $0x2  }
0xb8: {  	s31 =	sshll.u32 s1, $0xD;
	s1 =	sshrl.u32 s1, $0x2  }
0xb9: {  	s3 =	sand.u32 $0x4000, s31;
	s1 =	sadd.s32 s1, s30  }
0xba: {  	s0 =	sor.u32 s3, s0;
	s1 =	sshll.u32 s1, $0x11  }
0xbb: {  	s0 =	sor.u32 s1, s0  }
0xbc: {  	s0 =	sadd.s32 $0x8F2B, s0  }
0xbd: {  	[sflag:s0] =	ssyncadd.remote.s32 $0x1  }
0xbe: {  	_ =	sfence.sel $0xFFFF  }
0xbf: {  	[dreg:$0x0] =	wrdreg $0xFFFFFFFF;
	(pc) =	sbr.abs _section_cstart, $3  }
0xc0: {  	[dreg:$0x1] =	wrdreg $0xFFFFFFFF  }
0xc1: {  	_ =	task.clear_ibuf [dreg:s6], $0x2FFFF;
	_ =	strace $0x9FFFFFFF  }
0xc2: {  	(tm) =	ssettm $0x7FFFFFFF  }
0xc3: {  	_ =	shalt  }
tec
execute0_lowered:
.L_overlay_start_1:
0x0: {  	(tag) =	ssettag $0x1  }
0x1: {  	s7 =	rddreg [dreg:$0x0]  }
0x2: {  	s2 =	rddreg [dreg:$0x1]  }
0x3: {  	s0 =	rddreg [dreg:$0x2]  }
0x4: {  	s3 =	simm.s32 $0x0;
	s1 =	stileid.u32;
	s4 =	srdreg.scid  }
0x5: {  	s15 =	simm.s32 $0x100;
	s16 =	simm.s32 $0x1;
	s17 =	simm.s32 $0x0  }
0x6: {  	[smem:$0x7FF] =	sst s3;
	s8 =	smul.u32 $0x13C00, s1;
	s9 =	sand.u32 $0x1, s4  }
0x7: {  	s4 =	sadd.s32 $0x8D400, s7;
	s5 =	sadd.s32 $0x2400, s7;
	s6 =	sadd.s32 $0xC400, s7  }
0x8: {  	s13 =	smul.u32 $0x4F000, s1;
	s31 =	sshll.u32 s1, $0x6;
	_ =	strace $0x8000004D  }
0x9: {  	s10 =	smul.u32 $0x13C000, s9;
	s28 =	ssub.s32 $0x2, s9;
	s29 =	sshll.u32 s9, $0x4  }
0xa: {  	s11 =	sshrl.u32 s8, $0x3;
	s12 =	sshrl.u32 s28, $0x1;
	s9 =	sor.u32 s1, s29  }
0xb: {  	s30 =	sshrl.u32 s13, $0x2;
	s11 =	sadd.s32 s11, s7;
	s8 =	sadd.s32 s8, s10  }
0xc: {  	s12 =	ssub.s32 s28, s12;
	s13 =	sadd.s32 s30, s2;
	s8 =	sshrl.u32 s8, $0x3  }
0xd: {  	s9 =	smul.u32 $0x2800, s9;
	s14 =	sadd.s32 s8, s7;
	s7 =	sadd.s32 $0x16400, s11  }
0xe: {  	s8 =	sor.u32 $0x1C02, s31;
	s11 =	smax.u32 s12, $0x1;
	s12 =	sshrl.u32 s13, $0x3  }
0xf: {  	s13 =	simm.s32 $0x2;
	s10 =	sadd.s32 $0xB4600, s14;
	s14 =	simm.s32 $0x80  }
.LBB2_1:
0x10: {  	[spmem:s12], [sflag:s8] =	dma.local [hbm:s7], $0x2780  }
0x11: {  	s18 =	sand.u32 $0x3C00, s3  }
0x12: {  	s19 =	sand.u32 $0x380, s3;
	_ =	swait.ge [sflag:s13], $0x2780;
	s18 =	sadd.s32 s9, s18  }
0x13: {  	[sflag:s13] =	ssyncset.done $0x0;
	s18 =	sor.u32 s19, s18  }
0x14: {  	[sflag:s13] =	ssyncadd.s32 $0xFFFFD880;
	s18 =	sshrl.u32 s18, $0x3  }
0x15: {  	[bflag:$0x0] =	sbarrier.arrive $0xFFFF;
	s29 =	sadd.s32 s6, s18  }
0x16: {  	[tilespmem:s14], [sflag:$0x2] =	stream.linear.gather [hbm4b:s29+s3], $0x80, $0x38;
	[tilespmem:$0x17D00] =	vst v63  }
0x17: {  	_ =	swait.ge [sflag:s13], $0x80  }
0x18: {  	[sflag:s13] =	ssyncset.done $0x0  }
0x19: {  	s18 =	sadd.s32 s5, s18;
	[sflag:s13] =	ssyncadd.s32 $0xFFFFFF80  }
0x1a: {  	[tilespmem:s3], [sflag:$0x2] =	stream.linear.gather [hbm4b:s18+s3], $0x80, $0x38;
	[tilespmem:$0x17D00] =	vst v63  }
0x1b: {  	_ =	swait.ge [sflag:s13], $0x80  }
0x1c: {  	[sflag:s13] =	ssyncset.done $0x0  }
0x1d: {  	[sflag:s13] =	ssyncadd.s32 $0xFFFFFF80  }
0x1e: {  	[tilespmem:s15], [sflag:$0x1] =	stream.indirect.gather [hbm4b:s4+s14], $0x80, s3, s14, $0xb8;
	[tilespmem:$0x17D00] =	vst v63  }
0x1f: {  	_ =	swait.ge [sflag:s16], $0x4000  }
0x20: {  	s30 =	simm.s32 $0x80;
	[sflag:s16] =	ssyncset.done $0x0  }
0x21: {  	s31 =	sand.u32 $0x3C00, s30;
	[sflag:s16] =	ssyncadd.s32 $0xFFFFC000  }
0x22: {  	[spmem:s2] =	stream.indirect.scatter.add.f32 [tilespmem:s15], [sflag:$0x2], $0x80, s14, s14, $0xb8;
	[tilespmem:$0x17D00] =	vst v63  }
0x23: {  	s20 =	sand.u32 $0x380, s30;
	s19 =	sadd.s32 s9, s31;
	_ =	swait.ge [sflag:s13], $0x4000  }
0x24: {  	s19 =	sor.u32 s20, s19;
	s18 =	simm.s32 $0x100;
	[sflag:s13] =	ssyncset.done $0x0  }
.LBB2_2:
0x25: {  	s19 =	sshrl.u32 s19, $0x3  }
0x26: {  	[sflag:s13] =	ssyncadd.s32 $0xFFFFC000;
	s20 =	smov.u32 s18;
	s21 =	sadd.s32 $0x80, s18  }
0x27: {  	p0 =	sne.s32 s18, $0x2700;
	s18 =	sadd.s32 s6, s19  }
0x28: {  	[tilespmem:s14], [sflag:$0x2] =	stream.linear.gather [hbm4b:s18+s3], $0x80, $0x38;
	[tilespmem:$0x17D00] =	vst v63  }
0x29: {  	_ =	swait.ge [sflag:s13], $0x80  }
0x2a: {  	[sflag:s13] =	ssyncset.done $0x0  }
0x2b: {  	s18 =	sadd.s32 s5, s19;
	[sflag:s13] =	ssyncadd.s32 $0xFFFFFF80  }
0x2c: {  	[tilespmem:s3], [sflag:$0x2] =	stream.linear.gather [hbm4b:s18+s3], $0x80, $0x38;
	[tilespmem:$0x17D00] =	vst v63  }
0x2d: {  	_ =	swait.ge [sflag:s13], $0x80  }
0x2e: {  	[sflag:s13] =	ssyncset.done $0x0  }
0x2f: {  	[sflag:s13] =	ssyncadd.s32 $0xFFFFFF80  }
0x30: {  	[tilespmem:s15], [sflag:$0x1] =	stream.indirect.gather [hbm4b:s4+s14], $0x80, s3, s14, $0xb8;
	[tilespmem:$0x17D00] =	vst v63  }
0x31: {  	_ =	swait.ge [sflag:s16], $0x4000  }
.Ltmp0:
0x32: {  	[sflag:s16] =	ssyncset.done $0x0;
	(pc) =	sbr.rel @p0 .LBB2_2-.Ltmp0, $4  }
0x33: {  	s18 =	sand.u32 $0x3C00, s20;
	[sflag:s16] =	ssyncadd.s32 $0xFFFFC000  }
0x34: {  	[spmem:s2] =	stream.indirect.scatter.add.f32 [tilespmem:s15], [sflag:$0x2], $0x80, s14, s14, $0xb8;
	[tilespmem:$0x17D00] =	vst v63  }
0x35: {  	s19 =	sand.u32 $0x380, s20;
	s18 =	sadd.s32 s9, s18;
	_ =	swait.ge [sflag:s13], $0x4000  }
0x36: {  	s19 =	sor.u32 s19, s18;
	s18 =	smov.u32 s21;
	[sflag:s13] =	ssyncset.done $0x0  }
0x37: {  	s18 =	sshrl.u32 s19, $0x3  }
0x38: {  	[sflag:s13] =	ssyncadd.s32 $0xFFFFC000;
	s19 =	sadd.s32 s6, s18  }
0x39: {  	[tilespmem:s14], [sflag:$0x2] =	stream.linear.gather [hbm4b:s19+s3], $0x80, $0x38;
	[tilespmem:$0x17D00] =	vst v63  }
0x3a: {  	_ =	swait.ge [sflag:s13], $0x80  }
0x3b: {  	[sflag:s13] =	ssyncset.done $0x0  }
0x3c: {  	s18 =	sadd.s32 s5, s18;
	[sflag:s13] =	ssyncadd.s32 $0xFFFFFF80  }
0x3d: {  	[tilespmem:s3], [sflag:$0x2] =	stream.linear.gather [hbm4b:s18+s3], $0x80, $0x38;
	[tilespmem:$0x17D00] =	vst v63  }
0x3e: {  	_ =	swait.ge [sflag:s13], $0x80  }
0x3f: {  	[sflag:s13] =	ssyncset.done $0x0  }
0x40: {  	[sflag:s13] =	ssyncadd.s32 $0xFFFFFF80  }
0x41: {  	[tilespmem:s15], [sflag:$0x1] =	stream.indirect.gather [hbm4b:s4+s14], $0x80, s3, s14, $0xb8;
	[tilespmem:$0x17D00] =	vst v63  }
0x42: {  	_ =	swait.ge [sflag:s16], $0x4000  }
0x43: {  	[sflag:s16] =	ssyncset.done $0x0  }
0x44: {  	[sflag:s16] =	ssyncadd.s32 $0xFFFFC000  }
0x45: {  	[spmem:s2] =	stream.indirect.scatter.add.f32 [tilespmem:s15], [sflag:$0x2], $0x80, s14, s14, $0xb8;
	[tilespmem:$0x17D00] =	vst v63  }
0x46: {  	_ =	swait.ge [sflag:s13], $0x4000  }
0x47: {  	s17 =	sadd.s32 $0x1, s17;
	[sflag:s13] =	ssyncset.done $0x0  }
0x48: {  	p0 =	sne.s32 s17, s11;
	[sflag:s13] =	ssyncadd.s32 $0xFFFFC000  }
.Ltmp1:
0x49: {  	[bflag:$0x0] =	sbarrier.arrive $0xFFFF;
	(pc) =	sbr.rel @p0 .LBB2_1-.Ltmp1, $4  }
0x4a: {  	[hbm:s10], [sflag:s8] =	dma.local [spmem:s12], $0x2780  }
0x4b: {  	_ =	swait.ge [sflag:s13], $0x2780  }
0x4c: {  	[sflag:s13] =	ssyncset.done $0x0  }
0x4d: {  	[sflag:s13] =	ssyncadd.s32 $0xFFFFD880  }
0x4e: {  	_ =	sfence.sel $0x180000  }
0x4f: {  	[bflag:$0x0] =	sbarrier.arrive $0xFFFF  }
0x50: {  	p0 =	sne.s32 s1, $0x0;
	_ =	strace $0x9000004D  }
0x51: {  	s0 =	sadd.s32 @!p0 $0x100000, s0;
	[bflag:$0x2] =	sbarrier.arrive $0xFFFF  }
0x52: {  	[sflag:s0] =	ssyncadd.tile.s32 @!p0 $0x1;
	_ =	shalt  }
.Lfunc_end2:
_tile_overlayer_lowered:
.L_overlay_start_2:
0x53: {  	(tag) =	ssettag $0x2  }
0x54: {  	s0 =	rddreg [dreg:$0x0];
	s2 =	stileid.u32  }
0x55: {  	s1 =	rddreg [dreg:$0x1];
	p0 =	sne.s32 s2, $0x0  }
0x56: {  	s3 =	rddreg [dreg:$0x2];
	[bflag:$0x3] =	sbarrier.arrive $0xFFFF;
	s2 =	simm.s32 @!p0 $0x1C02  }
0x57: {  	[timem:s3], [sflag:s2] =	dma.local @!p0 [hbm:s0], s1  }
0x58: {  	s0 =	simm.s32 @!p0 $0x2  }
0x59: {  	_ =	swait.ge @!p0 [sflag:s0], s1  }
0x5a: {  	s1 =	ssub.s32 @!p0 $0x0, s1;
	[sflag:s0] =	ssyncset.done @!p0 $0x0  }
0x5b: {  	[sflag:s0] =	ssyncadd.s32 @!p0 s1  }
0x5c: {  	[bflag:$0x3] =	sbarrier.arrive $0xFFFF  }
0x5d: {  	_ =	shalt  }

// kernel: kernel.8.cloned.1.call-start
scs
__scs_entry_jumppad:
0x0: {  	(pc) =	sbr.rel $0x88, $3  }
0x1: {  	(tag) =	ssettag $0x0;
	lr =	simm.s32 $0x1  }
0x2: {  	[smem:$0x3F9A] =	sst lr;
	_ =	strace $0xD0000000  }
0x3: {  	_ = 	snop  }
0x4: {  	_ = 	snop  }
0x5: {  	_ = 	snop  }
0x6: {  	_ = 	snop  }
0x7: {  	_ = 	snop  }
__scs_overlays_trampoline_lowered:
0x8: {  	[smem:$0x3FA9] =	sst s0  }
0x9: {  	[smem:$0x3FAA] =	sst s1  }
0xa: {  	[smem:$0x3FAB] =	sst s2  }
0xb: {  	[smem:$0x3FAC] =	sst s3  }
0xc: {  	[smem:$0x3FAD] =	sst s4  }
0xd: {  	[smem:$0x3FAE] =	sst s5  }
0xe: {  	[smem:$0x3FAF] =	sst s6  }
0xf: {  	[smem:$0x3FB0] =	sst s7  }
0x10: {  	[smem:$0x3FB1] =	sst s8  }
0x11: {  	[smem:$0x3FB2] =	sst s9;
	s0 =	simm.s32 @!p0 $0x0  }
0x12: {  	s1 =	sld [smem:$0x3F98];
	s0 =	simm.s32 @p0 $0x1  }
0x13: {  	[smem:$0x3FB3] =	sst s0;
	s0 =	simm.s32 @!p1 $0x0  }
0x14: {  	s2 =	sld [smem:$0x3F97];
	s0 =	simm.s32 @p1 $0x1  }
0x15: {  	[smem:$0x3FB4] =	sst s0;
	s0 =	simm.s32 @!p2 $0x0  }
0x16: {  	s3 =	sld [smem:$0x3FDB];
	s0 =	simm.s32 @p2 $0x1  }
0x17: {  	s4 =	simm.s32 $0x1BF5;
	[smem:$0x3FB6] =	sst s0  }
0x18: {  	s0 =	sld [smem:$0x3F99];
	_ =	swait.ge [sflag:s4], $0x0  }
0x19: {  	s7 =	sld [smem:$0x3F9A]  }
0x1a: {  	s8 =	sadd.s32 $0xFFFFE003, lr  }
0x1b: {  	s9 =	sadd.s32 $0xFFFFFEF7, lr;
	s5 =	simm.s32 $0xFFFFFFFF;
	p2 =	slt.u32 s8, $0xFFFFF086  }
0x1c: {  	p1 =	slt.u32 s9, $0xF7A;
	s5 =	simm.s32 @!p2 $0x0  }
0x1d: {  	s5 =	simm.s32 @p1 $0x1;
	p0 =	seq.s32 s7, s2  }
0x1e: {  	s7 =	smul.u32 @!p0 $0xF7A, s2;
	p2 =	seq.s32 @!p0 s5, $0x0  }
0x1f: {  	s9 =	smul.u32 $0xF7A, s1;
	s8 =	simm.s32 @!p0 $0x1BF5;
	p2 =	por !p2, p0  }
0x20: {  	[sflag:s8] =	ssyncset.s32 @!p0 $0xFFFFF086;
	s6 =	sadd.s32 @!p0 s3, s7;
	s7 =	simm.s32 @!p0 $0x108  }
0x21: {  	s3 =	sadd.s32 s3, s9;
	s6 =	sadd.s32 @!p0 $0x88, s6;
	s7 =	simm.s32 @p2 $0x1082  }
0x22: {  	[simem:s7], [sflag:s8] =	dma.local @!p0 [hbm:s6], $0xF7A  }
0x23: {  	s9 =	sor.u32 $0xD0000000, s2;
	s6 =	simm.s32 $0x108;
	_ =	swait.ge @!p0 [sflag:s8], $0x0  }
0x24: {  	s3 =	sadd.s32 $0x88, s3;
	s6 =	simm.s32 @!p1 $0x1082;
	[sflag:s4] =	ssyncset.s32 $0xFFFFF086  }
0x25: {  	[simem:s6], [sflag:s4] =	dma.local [hbm:s3], $0xF7A  }
0x26: {  	[smem:$0x3F9A] =	sst s1;
	(tag) =	ssettag s2;
	_ =	strace s9  }
0x27: {  	s1 =	sld [smem:$0x3FAA]  }
0x28: {  	s2 =	sld [smem:$0x3FAB]  }
0x29: {  	s4 =	sld [smem:$0x3FAD]  }
0x2a: {  	p0 =	seq.s32 s5, $0x0;
	s5 =	sld [smem:$0x3FAE]  }
0x2b: {  	s6 =	sld [smem:$0x3FAF]  }
0x2c: {  	s7 =	sld [smem:$0x3FB0]  }
0x2d: {  	s3 =	simm.s32 $0x108;
	s8 =	sld [smem:$0x3FB1]  }
0x2e: {  	s3 =	simm.s32 @!p0 $0x1082;
	s9 =	sld [smem:$0x3FB2]  }
0x2f: {  	lr =	sadd.s32 s0, s3;
	s0 =	sld [smem:$0x3FA9]  }
0x30: {  	s3 =	sld [smem:$0x3FAC]  }
0x31: {  	[smem:$0x3FB5] =	sst s10  }
0x32: {  	s10 =	sld [smem:$0x3FB3];
	_ =	sdelay $0x3  }
0x33: {  	p0 =	seq.s32 s10, $0x1;
	s10 =	sld [smem:$0x3FB5];
	_ =	sdelay $0x3  }
0x34: {  	[smem:$0x3FB5] =	sst s10  }
0x35: {  	s10 =	sld [smem:$0x3FB4];
	_ =	sdelay $0x3  }
0x36: {  	p1 =	seq.s32 s10, $0x1;
	s10 =	sld [smem:$0x3FB5];
	_ =	sdelay $0x3  }
0x37: {  	[smem:$0x3FB5] =	sst s10  }
0x38: {  	s10 =	sld [smem:$0x3FB6]  }
0x39: {  	_ = 	snop;
	(pc) =	sbr.ind lr, $3  }
0x3a: {  	_ = 	snop  }
0x3b: {  	_ = 	snop  }
0x3c: {  	p2 =	seq.s32 s10, $0x1;
	s10 =	sld [smem:$0x3FB5]  }
0x3d: {  	_ =	shalt  }
0x3e: {  	_ =	shalt  }
0x3f: {  	_ =	shalt  }
0x40: {  	_ =	shalt  }
0x41: {  	_ =	shalt  }
0x42: {  	_ =	shalt  }
0x43: {  	_ =	shalt  }
0x44: {  	_ =	shalt  }
0x45: {  	_ =	shalt  }
0x46: {  	_ =	shalt  }
0x47: {  	_ =	shalt  }
0x48: {  	_ =	shalt  }
0x49: {  	_ =	shalt  }
0x4a: {  	_ =	shalt  }
0x4b: {  	_ =	shalt  }
0x4c: {  	_ =	shalt  }
0x4d: {  	_ =	shalt  }
0x4e: {  	_ =	shalt  }
0x4f: {  	_ =	shalt  }
0x50: {  	_ =	shalt  }
0x51: {  	_ =	shalt  }
0x52: {  	_ =	shalt  }
0x53: {  	_ =	shalt  }
0x54: {  	_ =	shalt  }
0x55: {  	_ =	shalt  }
0x56: {  	_ =	shalt  }
0x57: {  	_ =	shalt  }
0x58: {  	_ =	shalt  }
0x59: {  	_ =	shalt  }
0x5a: {  	_ =	shalt  }
0x5b: {  	_ =	shalt  }
0x5c: {  	_ =	shalt  }
0x5d: {  	_ =	shalt  }
0x5e: {  	_ =	shalt  }
0x5f: {  	_ =	shalt  }
0x60: {  	_ =	shalt  }
0x61: {  	_ =	shalt  }
0x62: {  	_ =	shalt  }
0x63: {  	_ =	shalt  }
0x64: {  	_ =	shalt  }
0x65: {  	_ =	shalt  }
0x66: {  	_ =	shalt  }
0x67: {  	_ =	shalt  }
0x68: {  	_ =	shalt  }
0x69: {  	_ =	shalt  }
0x6a: {  	_ =	shalt  }
0x6b: {  	_ =	shalt  }
0x6c: {  	_ =	shalt  }
0x6d: {  	_ =	shalt  }
0x6e: {  	_ =	shalt  }
0x6f: {  	_ =	shalt  }
0x70: {  	_ =	shalt  }
0x71: {  	_ =	shalt  }
0x72: {  	_ =	shalt  }
0x73: {  	_ =	shalt  }
0x74: {  	_ =	shalt  }
0x75: {  	_ =	shalt  }
0x76: {  	_ =	shalt  }
0x77: {  	_ =	shalt  }
0x78: {  	_ =	shalt  }
0x79: {  	_ =	shalt  }
0x7a: {  	_ =	shalt  }
0x7b: {  	_ =	shalt  }
0x7c: {  	_ =	shalt  }
0x7d: {  	_ =	shalt  }
0x7e: {  	_ =	shalt  }
0x7f: {  	_ =	shalt  }
0x80: {  	_ =	shalt  }
0x81: {  	_ =	shalt  }
0x82: {  	_ =	shalt  }
0x83: {  	_ =	shalt  }
0x84: {  	_ =	shalt  }
0x85: {  	_ =	shalt  }
0x86: {  	_ =	shalt  }
0x87: {  	_ =	shalt  }
.Lfunc_end0:
.L_simem_size_0:
called_computation_lowered:
.L_overlay_start_0:
0x88: {  	s2 =	sld [smem:$0x3FD9]  }
0x89: {  	s3 =	sld [smem:$0x3FFE];
	_ =	sdelay $0x1  }
0x8a: {  	s1 =	srdreg.scid  }
0x8b: {  	s0 =	sand.u32 $0x1, s1  }
0x8c: {  	s16 =	sshll.u32 s0, $0xA;
	s2 =	sadd.s32 s3, s2  }
0x8d: {  	s2 =	sadd.s32 s2, s16  }
0x8e: {  	[smem:$0x3FC1] =	sst s2  }
0x8f: {  	_ = 	snop  }
0x90: {  	(tm) =	ssettm $0x1  }
0x91: {  	s17 =	sld [smem:$0x3FFB];
	_ =	sdelay $0x3  }
0x92: {  	_ =	strace s17  }
0x93: {  	s2 =	sld [smem:$0x3FFC];
	_ =	sdelay $0x3  }
0x94: {  	_ =	strace s2  }
0x95: {  	s2 =	sld [smem:$0x3FFD];
	_ =	sdelay $0x3  }
0x96: {  	_ =	strace s2  }
0x97: {  	_ =	strace $0x8FFFFFFF  }
0x98: {  	s18 =	sld [smem:$0x3FDB];
	_ =	sdelay $0x1  }
0x99: {  	s19 =	simm.s32 $_scs_section_size  }
0x9a: {  	s4 =	simm.s32 $_size__tile_overlayer_lowered;
	s5 =	simm.s32 $_tile_overlayer_lowered  }
0x9b: {  	s22 =	simm.s32 $0x1BFF;
	s21 =	sshll.u32 s5, $0x1;
	s2 =	sadd.s32 s19, s18  }
0x9c: {  	s6 =	simm.s32 $0x0;
	s20 =	sshll.u32 s4, $0x1;
	s4 =	sadd.s32 s21, s2  }
0x9d: {  	[timem:s6], [sflag:s22] =	dma.local [hbm:s4], s20  }
0x9e: {  	_ =	swait.ge [sflag:s22], s20  }
0x9f: {  	s3 =	ssub.s32 $0x0, s20;
	[sflag:s22] =	ssyncset.done $0x0  }
0xa0: {  	[sflag:s22] =	ssyncadd.s32 s3;
	_ =	sdelay $0x1  }
0xa1: {  	s23 =	simm.s32 $0x1B8B  }
0xa2: {  	_ =	swait.ge [sflag:s23], $0x1  }
0xa3: {  	[sflag:s23] =	ssyncset.done $0x0  }
0xa4: {  	s25 =	simm.s32 $0x1B8E;
	s24 =	sld [smem:$0x3FFE];
	[sflag:s23] =	ssyncadd.s32 $0xFFFFFFFF  }
0xa5: {  	s26 =	simm.s32 $execute0_lowered;
	[smem:$0x3FD2] =	sst s25  }
0xa6: {  	s4 =	sshll.u32 s26, $0x1;
	_ =	strace $0x80000046;
	[dreg:$0x1] =	wrdreg $0xFFFFFFFF  }
0xa7: {  	s28 =	simm.s32 $_size_execute0_lowered;
	s2 =	sadd.s32 s2, s4;
	[dreg:$0x0] =	wrdreg $0x0  }
0xa8: {  	s4 =	sshll.u32 s28, $0x1;
	[dreg:$0x2] =	wrdreg s2  }
0xa9: {  	[dreg:$0x3] =	wrdreg s4  }
0xaa: {  	[dreg:$0x4] =	wrdreg $0xC0  }
0xab: {  	_ =	task [dreg:s6], $0x5FFFF  }
0xac: {  	[dreg:$0x1] =	wrdreg $0xFFFFFFFF  }
0xad: {  	[dreg:$0x0] =	wrdreg $0x60  }
0xae: {  	[dreg:$0x2] =	wrdreg s24  }
0xaf: {  	[dreg:$0x3] =	wrdreg $0x40800  }
0xb0: {  	[dreg:$0x4] =	wrdreg $0x9  }
0xb1: {  	_ =	task.clear_ibuf [dreg:s6], $0x5FFFF;
	_ =	strace $0x90000046  }
0xb2: {  	s29 =	simm.s32 $0x9;
	_ =	strace $0x80000048  }
0xb3: {  	_ =	swait.ge [sflag:s29], $0x1  }
0xb4: {  	[sflag:s29] =	ssyncadd.s32 $0xFFFFFFFF  }
0xb5: {  	_ =	strace $0x90000048  }
0xb6: {  	_ =	sfence  }
0xb7: {  	s30 =	sld [smem:$0x0];
	_ =	sdelay $0x2  }
0xb8: {  	s31 =	sshll.u32 s1, $0xD;
	s1 =	sshrl.u32 s1, $0x2  }
0xb9: {  	s3 =	sand.u32 $0x4000, s31;
	s1 =	sadd.s32 s1, s30  }
0xba: {  	s0 =	sor.u32 s3, s0;
	s1 =	sshll.u32 s1, $0x11  }
0xbb: {  	s0 =	sor.u32 s1, s0  }
0xbc: {  	s0 =	sadd.s32 $0x8F2B, s0  }
0xbd: {  	[sflag:s0] =	ssyncadd.remote.s32 $0x1  }
0xbe: {  	_ =	sfence.sel $0xFFFF  }
0xbf: {  	[dreg:$0x0] =	wrdreg $0xFFFFFFFF;
	(pc) =	sbr.abs _section_cstart, $3  }
0xc0: {  	[dreg:$0x1] =	wrdreg $0xFFFFFFFF  }
0xc1: {  	_ =	task.clear_ibuf [dreg:s6], $0x2FFFF;
	_ =	strace $0x9FFFFFFF  }
0xc2: {  	(tm) =	ssettm $0x7FFFFFFF  }
0xc3: {  	_ =	shalt  }
tec
execute0_lowered:
.L_overlay_start_1:
0x0: {  	(tag) =	ssettag $0x1  }
0x1: {  	s6 =	rddreg [dreg:$0x0]  }
0x2: {  	s2 =	rddreg [dreg:$0x1]  }
0x3: {  	s0 =	rddreg [dreg:$0x2]  }
0x4: {  	s1 =	stileid.u32;
	s4 =	srdreg.scid;
	s3 =	simm.s32 $0x0  }
0x5: {  	s14 =	simm.s32 $0x0;
	s7 =	smul.u32 $0x13C00, s1;
	s8 =	sand.u32 $0x1, s4  }
0x6: {  	[smem:$0x7FF] =	sst s3;
	s4 =	sadd.s32 $0x3DC00, s6;
	s11 =	smul.u32 $0x4F000, s1  }
0x7: {  	s5 =	sadd.s32 $0xC400, s6;
	s31 =	sshll.u32 s1, $0x6;
	s9 =	smul.u32 $0x13C000, s8  }
0x8: {  	_ =	strace $0x80000047;
	s26 =	ssub.s32 $0x2, s8;
	s29 =	sshll.u32 s8, $0x4  }
0x9: {  	s10 =	sshrl.u32 s7, $0x3;
	s28 =	sshrl.u32 s26, $0x1;
	s30 =	sshrl.u32 s11, $0x2  }
0xa: {  	s8 =	sor.u32 s1, s29;
	s7 =	sadd.s32 s7, s9;
	s10 =	sadd.s32 s10, s6  }
0xb: {  	s13 =	ssub.s32 s26, s28;
	s11 =	sadd.s32 s30, s2;
	s7 =	sshrl.u32 s7, $0x3  }
0xc: {  	s8 =	smul.u32 $0x2800, s8;
	s11 =	sshrl.u32 s11, $0x3;
	s12 =	sadd.s32 s7, s6  }
0xd: {  	s6 =	sadd.s32 $0x16400, s10;
	s7 =	sor.u32 $0x1C01, s31;
	s10 =	smax.u32 s13, $0x1  }
0xe: {  	s13 =	simm.s32 $0x80;
	s9 =	sadd.s32 $0x3E400, s12;
	s12 =	simm.s32 $0x1  }
.LBB2_1:
0xf: {  	[spmem:s11], [sflag:s7] =	dma.local [hbm:s6], $0x2780  }
0x10: {  	_ =	swait.ge [sflag:s12], $0x2780  }
0x11: {  	[sflag:s12] =	ssyncset.done $0x0  }
0x12: {  	s15 =	sand.u32 $0x3C00, s3;
	[sflag:s12] =	ssyncadd.s32 $0xFFFFD880  }
0x13: {  	[tilespmem:s13], [sflag:$0x1] =	stream.linear.gather [hbm4b:s4+s3], $0x4000, $0x38;
	[tilespmem:$0x17C80] =	vst v63  }
0x14: {  	s16 =	sand.u32 $0x380, s3;
	s15 =	sadd.s32 s8, s15;
	_ =	swait.ge [sflag:s12], $0x4000  }
0x15: {  	s15 =	sor.u32 s16, s15;
	[sflag:s12] =	ssyncset.done $0x0  }
0x16: {  	s15 =	sshrl.u32 s15, $0x3;
	[sflag:s12] =	ssyncadd.s32 $0xFFFFC000  }
0x17: {  	s15 =	sadd.s32 s5, s15;
	[bflag:$0x0] =	sbarrier.arrive $0xFFFF  }
0x18: {  	[tilespmem:s3], [sflag:$0x1] =	stream.linear.gather [hbm4b:s15+s3], $0x80, $0x38;
	[tilespmem:$0x17C80] =	vst v63  }
0x19: {  	_ =	swait.ge [sflag:s12], $0x80  }
0x1a: {  	s30 =	simm.s32 $0x80;
	[sflag:s12] =	ssyncset.done $0x0  }
0x1b: {  	s31 =	sand.u32 $0x3C00, s30;
	[sflag:s12] =	ssyncadd.s32 $0xFFFFFF80  }
0x1c: {  	[spmem:s2] =	stream.indirect.scatter.add.f32 [tilespmem:s13], [sflag:$0x1], $0x80, s3, s13, $0xb8;
	[tilespmem:$0x17C80] =	vst v63  }
0x1d: {  	s17 =	sand.u32 $0x380, s30;
	s16 =	sadd.s32 s8, s31;
	_ =	swait.ge [sflag:s12], $0x4000  }
0x1e: {  	s16 =	sor.u32 s17, s16;
	s15 =	simm.s32 $0x100;
	[sflag:s12] =	ssyncset.done $0x0  }
.LBB2_2:
0x1f: {  	s16 =	sshrl.u32 s16, $0x3  }
0x20: {  	[sflag:s12] =	ssyncadd.s32 $0xFFFFC000;
	s17 =	smov.u32 s15;
	s18 =	sadd.s32 $0x80, s15  }
0x21: {  	p0 =	sne.s32 s15, $0x2700;
	s15 =	sadd.s32 s5, s16  }
0x22: {  	[tilespmem:s3], [sflag:$0x1] =	stream.linear.gather [hbm4b:s15+s3], $0x80, $0x38;
	[tilespmem:$0x17C80] =	vst v63  }
0x23: {  	_ =	swait.ge [sflag:s12], $0x80  }
.Ltmp0:
0x24: {  	[sflag:s12] =	ssyncset.done $0x0;
	(pc) =	sbr.rel @p0 .LBB2_2-.Ltmp0, $4  }
0x25: {  	s15 =	sand.u32 $0x3C00, s17;
	[sflag:s12] =	ssyncadd.s32 $0xFFFFFF80  }
0x26: {  	[spmem:s2] =	stream.indirect.scatter.add.f32 [tilespmem:s13], [sflag:$0x1], $0x80, s3, s13, $0xb8;
	[tilespmem:$0x17C80] =	vst v63  }
0x27: {  	s16 =	sand.u32 $0x380, s17;
	s15 =	sadd.s32 s8, s15;
	_ =	swait.ge [sflag:s12], $0x4000  }
0x28: {  	s16 =	sor.u32 s16, s15;
	s15 =	smov.u32 s18;
	[sflag:s12] =	ssyncset.done $0x0  }
0x29: {  	s15 =	sshrl.u32 s16, $0x3  }
0x2a: {  	[sflag:s12] =	ssyncadd.s32 $0xFFFFC000;
	s15 =	sadd.s32 s5, s15  }
0x2b: {  	[tilespmem:s3], [sflag:$0x1] =	stream.linear.gather [hbm4b:s15+s3], $0x80, $0x38;
	[tilespmem:$0x17C80] =	vst v63  }
0x2c: {  	_ =	swait.ge [sflag:s12], $0x80  }
0x2d: {  	[sflag:s12] =	ssyncset.done $0x0  }
0x2e: {  	[sflag:s12] =	ssyncadd.s32 $0xFFFFFF80  }
0x2f: {  	[spmem:s2] =	stream.indirect.scatter.add.f32 [tilespmem:s13], [sflag:$0x1], $0x80, s3, s13, $0xb8;
	[tilespmem:$0x17C80] =	vst v63  }
0x30: {  	_ =	swait.ge [sflag:s12], $0x4000  }
0x31: {  	s14 =	sadd.s32 $0x1, s14;
	[sflag:s12] =	ssyncset.done $0x0  }
0x32: {  	p0 =	sne.s32 s14, s10;
	[sflag:s12] =	ssyncadd.s32 $0xFFFFC000  }
.Ltmp1:
0x33: {  	[bflag:$0x0] =	sbarrier.arrive $0xFFFF;
	(pc) =	sbr.rel @p0 .LBB2_1-.Ltmp1, $4  }
0x34: {  	[hbm:s9], [sflag:s7] =	dma.local [spmem:s11], $0x2780  }
0x35: {  	_ =	swait.ge [sflag:s12], $0x2780  }
0x36: {  	[sflag:s12] =	ssyncset.done $0x0  }
0x37: {  	[sflag:s12] =	ssyncadd.s32 $0xFFFFD880  }
0x38: {  	_ =	sfence.sel $0x180000  }
0x39: {  	[bflag:$0x0] =	sbarrier.arrive $0xFFFF  }
0x3a: {  	p0 =	sne.s32 s1, $0x0;
	_ =	strace $0x90000047  }
0x3b: {  	s0 =	sadd.s32 @!p0 $0x100000, s0;
	[bflag:$0x2] =	sbarrier.arrive $0xFFFF  }
0x3c: {  	[sflag:s0] =	ssyncadd.tile.s32 @!p0 $0x1;
	_ =	shalt  }
.Lfunc_end2:
_tile_overlayer_lowered:
.L_overlay_start_2:
0x3d: {  	(tag) =	ssettag $0x2  }
0x3e: {  	s0 =	rddreg [dreg:$0x0];
	s2 =	stileid.u32  }
0x3f: {  	s1 =	rddreg [dreg:$0x1];
	p0 =	sne.s32 s2, $0x0  }
0x40: {  	s3 =	rddreg [dreg:$0x2];
	[bflag:$0x3] =	sbarrier.arrive $0xFFFF;
	s2 =	simm.s32 @!p0 $0x1C01  }
0x41: {  	[timem:s3], [sflag:s2] =	dma.local @!p0 [hbm:s0], s1  }
0x42: {  	s0 =	simm.s32 @!p0 $0x1  }
0x43: {  	_ =	swait.ge @!p0 [sflag:s0], s1  }
0x44: {  	s1 =	ssub.s32 @!p0 $0x0, s1;
	[sflag:s0] =	ssyncset.done @!p0 $0x0  }
0x45: {  	[sflag:s0] =	ssyncadd.s32 @!p0 s1  }
0x46: {  	[bflag:$0x3] =	sbarrier.arrive $0xFFFF  }
0x47: {  	_ =	shalt  }

</sc_bundles>
